<compile_context>
chip_gen: v7x
topology: tpu7x:2x2x1
jax: 0.10.2.dev20260603
libtpu: 0.0.44.dev20260713+nightly
codegen_flags: <defaults>
</compile_context>

<pallas_src>
import jax
import jax.numpy as jnp
import numpy as np
from jax import lax
from jax.experimental import pallas as pl
from jax.experimental.pallas import tpu as pltpu
from jax.experimental.pallas import tpu_sc as plsc

_B, _S, _D = 64, 1024, 768
_KEEP = 256

def _np_threefry2x32(k0, k1, x0, x1):
    def rotl(x, r):
        return ((x << np.uint32(r)) | (x >> np.uint32(32 - r))).astype(np.uint32)
    ks0 = np.uint32(k0)
    ks1 = np.uint32(k1)
    ks2 = np.uint32(ks0 ^ ks1 ^ np.uint32(0x1BD11BDA))
    x0 = (x0 + ks0).astype(np.uint32)
    x1 = (x1 + ks1).astype(np.uint32)
    rot_a, rot_b = (13, 15, 26, 6), (17, 29, 16, 24)
    inject = [(ks1, ks2), (ks2, ks0), (ks0, ks1), (ks1, ks2), (ks2, ks0)]
    for i, rots in enumerate((rot_a, rot_b, rot_a, rot_b, rot_a)):
        for r in rots:
            x0 = (x0 + x1).astype(np.uint32)
            x1 = rotl(x1, r)
            x1 = (x1 ^ x0).astype(np.uint32)
        ka, kb = inject[i]
        x0 = (x0 + ka).astype(np.uint32)
        x1 = (x1 + kb + np.uint32(i + 1)).astype(np.uint32)
    return x0, x1


def _np_uniform(seed, shape):
    n = int(np.prod(shape))
    r0, r1 = _np_threefry2x32(0, seed, np.zeros(n, dtype=np.uint32),
                              np.arange(n, dtype=np.uint32))
    fb = ((r0 ^ r1) >> np.uint32(9)) | np.uint32(0x3F800000)
    return (fb.view(np.float32) - np.float32(1.0)).reshape(shape)


_noise = _np_uniform(42, (_B, _S))
_m = np.round(_noise.astype(np.float64) * 2**23).astype(np.int64)
_pos = np.arange(_S, dtype=np.int64)[None, :]
_K = (_m * 256 + (_pos >> 2)).astype(np.int32)
_rank_ref = np.argsort(np.argsort(_noise, axis=1, kind="stable"), axis=1, kind="stable")
assert np.array_equal((_K[:, None, :] < _K[:, :, None]).sum(-1), _rank_ref), (
    "int32 key packing failed to reproduce stable argsort ranks")
del _rank_ref

_KC = _K.reshape(_B, _S, 1)
_KR = _K.reshape(_B, 1, _S)


_RB = 8


def _rank_body(kc_ref, kr_ref, restore_ref, mask_ref):
    ones_row = jnp.ones((1, _S), jnp.float32)
    for r in range(_RB):
        kc = kc_ref[r]
        kr = kr_ref[r]
        cmp = (kc < kr).astype(jnp.float32)
        ranks = jnp.dot(ones_row, cmp, preferred_element_type=jnp.float32)
        restore_ref[r] = ranks.astype(jnp.int32)
        mask_ref[r] = (ranks >= _KEEP).astype(jnp.float32)


_rank_call = pl.pallas_call(
    _rank_body,
    grid=(_B // _RB,),
    in_specs=[
        pl.BlockSpec((_RB, _S, 1), lambda b: (b, 0, 0)),
        pl.BlockSpec((_RB, 1, _S), lambda b: (b, 0, 0)),
    ],
    out_specs=[
        pl.BlockSpec((_RB, 1, _S), lambda b: (b, 0, 0)),
        pl.BlockSpec((_RB, 1, _S), lambda b: (b, 0, 0)),
    ],
    out_shape=[
        jax.ShapeDtypeStruct((_B, 1, _S), jnp.int32),
        jax.ShapeDtypeStruct((_B, 1, _S), jnp.float32),
    ],
)


_NC, _NS = 2, 16
_NW = _NC * _NS
_ROWS = _B * _KEEP
_RPW = _ROWS // _NW
_BPW = _B // _NW
_CH = 32
_NCHUNK = _RPW // _CH
_NBUF = 5
_AHEAD = 2


def _gather_body(seq_ref, ranks_ref, out_ref, rv, idx_v,
                 buf0, buf1, buf2, buf3, buf4,
                 g0, g1, g2, g3, g4, o0, o1, o2, o3, o4):
    wid = lax.axis_index("s") * _NC + lax.axis_index("c")
    base = wid * _RPW

    pltpu.sync_copy(ranks_ref.at[pl.ds(wid * _BPW, _BPW)], rv)
    lane = lax.iota(jnp.int32, 16)

    def _scatter_batch(bl):
        gbase = (wid * _BPW + bl) * _S

        def _scatter_step(t, _):
            r = rv[bl, pl.ds(t * 16, 16)]
            vals = gbase + t * 16 + lane
            plsc.store_scatter(idx_v, [bl * _KEEP + r], vals, mask=r < _KEEP)
            return 0

        lax.fori_loop(0, _S // 16, _scatter_step, 0)

    bufs = (buf0, buf1, buf2, buf3, buf4)
    gsems = (g0, g1, g2, g3, g4)
    osems = (o0, o1, o2, o3, o4)
    gcp = [None] * _NBUF
    ocp = [None] * _NBUF

    def _gather(c):
        return pltpu.async_copy(
            seq_ref.at[idx_v.at[pl.ds(c * _CH, _CH)]],
            bufs[c % _NBUF], gsems[c % _NBUF])

    _scatter_batch(0)
    for c in range(_AHEAD):
        gcp[c] = _gather(c)
    for bl in range(1, _BPW):
        _scatter_batch(bl)
    for c in range(_NCHUNK):
        p = c % _NBUF
        n = c + _AHEAD
        if n < _NCHUNK:
            q = n % _NBUF
            if ocp[q] is not None:
                ocp[q].wait()
            gcp[q] = _gather(n)
        gcp[p].wait()
        ocp[p] = pltpu.async_copy(
            bufs[p], out_ref.at[pl.ds(base + c * _CH, _CH)], osems[p])
    for c in range(_NCHUNK - _NBUF, _NCHUNK):
        ocp[c % _NBUF].wait()


_gather_call_cache = []


def _gather_call(seq_flat, ranks2):
    if not _gather_call_cache:
        _gather_call_cache.append(pl.kernel(
            _gather_body,
            out_type=jax.ShapeDtypeStruct((_ROWS, _D), jnp.float32),
            mesh=plsc.VectorSubcoreMesh(core_axis_name="c", subcore_axis_name="s"),
            compiler_params=pltpu.CompilerParams(needs_layout_passes=False),
            scratch_types=(
                [pltpu.VMEM((_BPW, _S), jnp.int32),
                 pltpu.VMEM((_RPW,), jnp.int32)]
                + [pltpu.VMEM((_CH, _D), jnp.float32)] * _NBUF
                + [pltpu.SemaphoreType.DMA] * (2 * _NBUF)
            ),
        ))
    return _gather_call_cache[0](seq_flat, ranks2)


def kernel(sequence):
    restore3, mask3 = _rank_call(_KC, _KR)
    restore2 = restore3.reshape(_B, _S)
    seq_flat = sequence.reshape(_B * _S, _D)
    unmasked = _gather_call(seq_flat, restore2)
    return (
        unmasked.reshape(_B, _KEEP, _D),
        mask3.reshape(_B, _S),
        restore2,
    )

# --- scband reference (transcript-rebuilt; emitter-appended) ---
"""Pipeline reference for scband-vi-tmaerandom-masking-16982300689094 (READ-ONLY COPY).

The authoritative reference and input builder live on the scoring server;
editing this copy changes nothing except your own understanding.
"""

import jax, jax.numpy as jnp
import numpy as np

MASK_RATIO = 0.75

def setup_inputs(seed: int = 0) -> dict:
    key = jax.random.key(seed)
    sequence = jax.random.normal(key, (64, 1024, 768), dtype=jnp.float32)
    return {"sequence": sequence}

def reference(sequence):
    batch_size, seq_length, dim = sequence.shape
    noise = jax.random.uniform(jax.random.key(42), (batch_size, seq_length), dtype=jnp.float32)
    len_keep = int(seq_length * (1 - MASK_RATIO))
    ids_shuffle = jnp.argsort(noise, axis=1)
    ids_restore = jnp.argsort(ids_shuffle, axis=1)
    ids_keep = ids_shuffle[:, :len_keep]
    idx = jnp.broadcast_to(ids_keep[:, :, None], (batch_size, len_keep, dim))
    sequence_unmasked = jnp.take_along_axis(sequence, idx, axis=1)
    mask = jnp.ones((batch_size, seq_length), dtype=jnp.float32)
    mask = mask.at[:, :len_keep].set(0.0)
    mask = jnp.take_along_axis(mask, ids_restore, axis=1)
    return (sequence_unmasked, mask, ids_restore)

if __name__ == "__main__":
    import jax
    _d = setup_inputs()
    print(jax.jit(kernel)(*tuple(_d.values())))

</pallas_src>

<mosaic_0001>
#map = affine_map<(d0, d1) -> (0, 0)>
module attributes {stable_mosaic.version = 14 : i64} {
  func.func @_gather_body(%arg0: i32, %arg1: i32, %arg2: memref<65536x768xf32, #tpu.memory_space<hbm>>, %arg3: memref<64x1024xi32, #tpu.memory_space<hbm>>, %arg4: memref<16384x768xf32, #tpu.memory_space<hbm>>, %arg5: memref<2x1024xi32, #tpu.memory_space<vmem>>, %arg6: memref<512xi32, #tpu.memory_space<vmem>>, %arg7: memref<32x768xf32, #tpu.memory_space<vmem>>, %arg8: memref<32x768xf32, #tpu.memory_space<vmem>>, %arg9: memref<32x768xf32, #tpu.memory_space<vmem>>, %arg10: memref<32x768xf32, #tpu.memory_space<vmem>>, %arg11: memref<32x768xf32, #tpu.memory_space<vmem>>, %arg12: memref<!tpu.dma_semaphore, #tpu.memory_space<semaphore_mem>>, %arg13: memref<!tpu.dma_semaphore, #tpu.memory_space<semaphore_mem>>, %arg14: memref<!tpu.dma_semaphore, #tpu.memory_space<semaphore_mem>>, %arg15: memref<!tpu.dma_semaphore, #tpu.memory_space<semaphore_mem>>, %arg16: memref<!tpu.dma_semaphore, #tpu.memory_space<semaphore_mem>>, %arg17: memref<!tpu.dma_semaphore, #tpu.memory_space<semaphore_mem>>, %arg18: memref<!tpu.dma_semaphore, #tpu.memory_space<semaphore_mem>>, %arg19: memref<!tpu.dma_semaphore, #tpu.memory_space<semaphore_mem>>, %arg20: memref<!tpu.dma_semaphore, #tpu.memory_space<semaphore_mem>>, %arg21: memref<!tpu.dma_semaphore, #tpu.memory_space<semaphore_mem>>) attributes {dimension_semantics = [#tpu.dimension_semantics<core_parallel>, #tpu.dimension_semantics<subcore_parallel>], iteration_bounds = array<i64: 2, 16>, scalar_prefetch = 0 : i64, scratch_operands = 17 : i64, tpu.core_type = #tpu.core_type<sc_vector_subcore>, window_params = [{transform_indices = #map}, {transform_indices = #map}, {transform_indices = #map}]} {
    %mul3A = arith.constant 2 : i32
    %mul3A_0 = arith.muli %arg1, %mul3A : i32
    %add3A = arith.addi %mul3A_0, %arg0 : i32
    %mul3A_1 = arith.constant 512 : i32
    %mul3A_2 = arith.muli %add3A, %mul3A_1 : i32
    %mul3A_3 = arith.constant 2 : i32
    %mul3A_4 = arith.muli %add3A, %mul3A_3 : i32
    "tpu.region"() ({
      %run_scoped3A = tpu.sem_alloc : memref<!tpu.dma_semaphore, #tpu.memory_space<semaphore_mem>>
      %dma_start3A_348 = arith.constant 0 : i32
      %dma_start3A_349 = tpu.memref_slice %arg3[%mul3A_4, %dma_start3A_348] : memref<64x1024xi32, #tpu.memory_space<hbm>> -> memref<2x1024xi32, #tpu.memory_space<hbm>>
      %dma_start3A_350 = arith.constant 0 : i32
      %dma_start3A_351 = tpu.memref_slice %arg3[%mul3A_4, %dma_start3A_350] : memref<64x1024xi32, #tpu.memory_space<hbm>> -> memref<2x1024xi32, #tpu.memory_space<hbm>>
      tpu.enqueue_dma source(%dma_start3A_351 : memref<2x1024xi32, #tpu.memory_space<hbm>>) target(%arg5 : memref<2x1024xi32, #tpu.memory_space<vmem>>) target_semaphore(%run_scoped3A : memref<!tpu.dma_semaphore, #tpu.memory_space<semaphore_mem>>)
      %dma_wait3A_352 = arith.constant 0 : i32
      %dma_wait3A_353 = tpu.memref_slice %arg3[%mul3A_4, %dma_wait3A_352] : memref<64x1024xi32, #tpu.memory_space<hbm>> -> memref<2x1024xi32, #tpu.memory_space<hbm>>
      %dma_wait3A_354 = arith.constant 0 : i32
      %dma_wait3A_355 = tpu.memref_slice %arg3[%mul3A_4, %dma_wait3A_354] : memref<64x1024xi32, #tpu.memory_space<hbm>> -> memref<2x1024xi32, #tpu.memory_space<hbm>>
      tpu.wait_dma2 semaphore(%run_scoped3A : memref<!tpu.dma_semaphore, #tpu.memory_space<semaphore_mem>>) src(%dma_wait3A_355 : memref<2x1024xi32, #tpu.memory_space<hbm>>) dst(%arg5 : memref<2x1024xi32, #tpu.memory_space<vmem>>)
      tpu.yield
    }) : () -> ()
    %iota3A = tpu.iota {dimensions = array<i32: 0>} : vector<16xi32>
    %mul3A_5 = arith.constant 2 : i32
    %mul3A_6 = arith.muli %add3A, %mul3A_5 : i32
    %add3A_7 = arith.constant 0 : i32
    %add3A_8 = arith.addi %mul3A_6, %add3A_7 : i32
    %mul3A_9 = arith.constant 1024 : i32
    %mul3A_10 = arith.muli %add3A_8, %mul3A_9 : i32
    %scan3A = arith.constant 0 : i32
    %scan3A_11 = arith.constant 0 : i32
    %scan3A_12 = arith.constant 64 : i32
    %scan3A_13 = arith.addi %scan3A_11, %scan3A_12 : i32
    %scan3A_14 = arith.constant 1 : i32
    %scan3A_15 = scf.for %scan3A_348 = %scan3A_11 to %scan3A_13 step %scan3A_14 iter_args(%scan3A_349 = %scan3A) -> (i32)  : i32 {
      %mul3A_350 = arith.constant 16 : i32
      %mul3A_351 = arith.muli %scan3A_348, %mul3A_350 : i32
      %get3A = arith.constant 0 : i32
      %get3A_352 = arith.index_cast %get3A : i32 to index
      %get3A_353 = arith.index_cast %mul3A_351 : i32 to index
      %get3A_354 = tpu.vector_load %arg5[%get3A_352, %get3A_353] {strides = array<i32>} : memref<2x1024xi32, #tpu.memory_space<vmem>>, vector<16xi32>,
      %mul3A_355 = arith.constant 16 : i32
      %mul3A_356 = arith.muli %scan3A_348, %mul3A_355 : i32
      %add3A_357 = arith.addi %mul3A_10, %mul3A_356 : i32
      %add3A_358 = vector.broadcast %add3A_357 : i32 to vector<16xi32>
      %add3A_359 = arith.addi %add3A_358, %iota3A : vector<16xi32>
      %add3A_360 = arith.constant 0 : i32
      %add3A_361 = vector.broadcast %add3A_360 : i32 to vector<16xi32>
      %add3A_362 = arith.addi %add3A_361, %get3A_354 : vector<16xi32>
      %lt3A = arith.constant 256 : i32
      %lt3A_363 = vector.broadcast %lt3A : i32 to vector<16xi32>
      %lt3A_364 = arith.cmpi slt, %get3A_354, %lt3A_363 : vector<16xi32>
      tpu.vector_store_idx %arg6[%add3A_362], %add3A_359 masked %lt3A_364 : memref<512xi32, #tpu.memory_space<vmem>>[vector<16xi32>], vector<16xi32>, vector<16xi1>
      %scan3A_365 = arith.constant 0 : i32
      scf.yield %scan3A_365 : i32
    }
    %scan3A_16 = arith.constant 64 : i32
    %dma_start3A = arith.constant 0 : i32
    %dma_start3A_17 = tpu.memref_slice %arg6[%dma_start3A] : memref<512xi32, #tpu.memory_space<vmem>> -> memref<32xi32, #tpu.memory_space<vmem>>
    %dma_start3A_18 = arith.constant 0 : i32
    %dma_start3A_19 = arith.constant 0 : i32
    %dma_start3A_20 = tpu.memref_slice %arg2[%dma_start3A_18, %dma_start3A_19] : memref<65536x768xf32, #tpu.memory_space<hbm>> -> memref<65536x768xf32, #tpu.memory_space<hbm>>
    tpu.enqueue_indirect_dma source(%dma_start3A_20 : memref<65536x768xf32, #tpu.memory_space<hbm>>) target(%arg7 : memref<32x768xf32, #tpu.memory_space<vmem>>) offsets(%dma_start3A_17 : memref<32xi32, #tpu.memory_space<vmem>>) semaphore(%arg12 : memref<!tpu.dma_semaphore, #tpu.memory_space<semaphore_mem>>)
    %dma_start3A_21 = arith.constant 32 : i32
    %dma_start3A_22 = tpu.memref_slice %arg6[%dma_start3A_21] : memref<512xi32, #tpu.memory_space<vmem>> -> memref<32xi32, #tpu.memory_space<vmem>>
    %dma_start3A_23 = arith.constant 0 : i32
    %dma_start3A_24 = arith.constant 0 : i32
    %dma_start3A_25 = tpu.memref_slice %arg2[%dma_start3A_23, %dma_start3A_24] : memref<65536x768xf32, #tpu.memory_space<hbm>> -> memref<65536x768xf32, #tpu.memory_space<hbm>>
    tpu.enqueue_indirect_dma source(%dma_start3A_25 : memref<65536x768xf32, #tpu.memory_space<hbm>>) target(%arg8 : memref<32x768xf32, #tpu.memory_space<vmem>>) offsets(%dma_start3A_22 : memref<32xi32, #tpu.memory_space<vmem>>) semaphore(%arg13 : memref<!tpu.dma_semaphore, #tpu.memory_space<semaphore_mem>>)
    %mul3A_26 = arith.constant 2 : i32
    %mul3A_27 = arith.muli %add3A, %mul3A_26 : i32
    %add3A_28 = arith.constant 1 : i32
    %add3A_29 = arith.addi %mul3A_27, %add3A_28 : i32
    %mul3A_30 = arith.constant 1024 : i32
    %mul3A_31 = arith.muli %add3A_29, %mul3A_30 : i32
    %scan3A_32 = arith.constant 0 : i32
    %scan3A_33 = arith.constant 0 : i32
    %scan3A_34 = arith.constant 64 : i32
    %scan3A_35 = arith.addi %scan3A_33, %scan3A_34 : i32
    %scan3A_36 = arith.constant 1 : i32
    %scan3A_37 = scf.for %scan3A_348 = %scan3A_33 to %scan3A_35 step %scan3A_36 iter_args(%scan3A_349 = %scan3A_32) -> (i32)  : i32 {
      %mul3A_350 = arith.constant 16 : i32
      %mul3A_351 = arith.muli %scan3A_348, %mul3A_350 : i32
      %get3A = arith.constant 1 : i32
      %get3A_352 = arith.index_cast %get3A : i32 to index
      %get3A_353 = arith.index_cast %mul3A_351 : i32 to index
      %get3A_354 = tpu.vector_load %arg5[%get3A_352, %get3A_353] {strides = array<i32>} : memref<2x1024xi32, #tpu.memory_space<vmem>>, vector<16xi32>,
      %mul3A_355 = arith.constant 16 : i32
      %mul3A_356 = arith.muli %scan3A_348, %mul3A_355 : i32
      %add3A_357 = arith.addi %mul3A_31, %mul3A_356 : i32
      %add3A_358 = vector.broadcast %add3A_357 : i32 to vector<16xi32>
      %add3A_359 = arith.addi %add3A_358, %iota3A : vector<16xi32>
      %add3A_360 = arith.constant 256 : i32
      %add3A_361 = vector.broadcast %add3A_360 : i32 to vector<16xi32>
      %add3A_362 = arith.addi %add3A_361, %get3A_354 : vector<16xi32>
      %lt3A = arith.constant 256 : i32
      %lt3A_363 = vector.broadcast %lt3A : i32 to vector<16xi32>
      %lt3A_364 = arith.cmpi slt, %get3A_354, %lt3A_363 : vector<16xi32>
      tpu.vector_store_idx %arg6[%add3A_362], %add3A_359 masked %lt3A_364 : memref<512xi32, #tpu.memory_space<vmem>>[vector<16xi32>], vector<16xi32>, vector<16xi1>
      %scan3A_365 = arith.constant 0 : i32
      scf.yield %scan3A_365 : i32
    }
    %scan3A_38 = arith.constant 64 : i32
    %dma_start3A_39 = arith.constant 64 : i32
    %dma_start3A_40 = tpu.memref_slice %arg6[%dma_start3A_39] : memref<512xi32, #tpu.memory_space<vmem>> -> memref<32xi32, #tpu.memory_space<vmem>>
    %dma_start3A_41 = arith.constant 0 : i32
    %dma_start3A_42 = arith.constant 0 : i32
    %dma_start3A_43 = tpu.memref_slice %arg2[%dma_start3A_41, %dma_start3A_42] : memref<65536x768xf32, #tpu.memory_space<hbm>> -> memref<65536x768xf32, #tpu.memory_space<hbm>>
    tpu.enqueue_indirect_dma source(%dma_start3A_43 : memref<65536x768xf32, #tpu.memory_space<hbm>>) target(%arg9 : memref<32x768xf32, #tpu.memory_space<vmem>>) offsets(%dma_start3A_40 : memref<32xi32, #tpu.memory_space<vmem>>) semaphore(%arg14 : memref<!tpu.dma_semaphore, #tpu.memory_space<semaphore_mem>>)
    %dma_wait3A = arith.constant 0 : i32
    %dma_wait3A_44 = tpu.memref_slice %arg6[%dma_wait3A] : memref<512xi32, #tpu.memory_space<vmem>> -> memref<32xi32, #tpu.memory_space<vmem>>
    %dma_wait3A_45 = arith.constant 0 : i32
    %dma_wait3A_46 = arith.constant 0 : i32
    %dma_wait3A_47 = tpu.memref_slice %arg2[%dma_wait3A_45, %dma_wait3A_46] : memref<65536x768xf32, #tpu.memory_space<hbm>> -> memref<65536x768xf32, #tpu.memory_space<hbm>>
    tpu.wait_indirect_dma semaphore(%arg12 : memref<!tpu.dma_semaphore, #tpu.memory_space<semaphore_mem>>) src(%dma_wait3A_47 : memref<65536x768xf32, #tpu.memory_space<hbm>>) dst(%arg7 : memref<32x768xf32, #tpu.memory_space<vmem>>)
    %add3A_48 = arith.constant 0 : i32
    %add3A_49 = arith.addi %mul3A_2, %add3A_48 : i32
    %dma_start3A_50 = arith.constant 0 : i32
    %dma_start3A_51 = tpu.memref_slice %arg4[%add3A_49, %dma_start3A_50] : memref<16384x768xf32, #tpu.memory_space<hbm>> -> memref<32x768xf32, #tpu.memory_space<hbm>>
    %dma_start3A_52 = arith.constant 0 : i32
    %dma_start3A_53 = tpu.memref_slice %arg4[%add3A_49, %dma_start3A_52] : memref<16384x768xf32, #tpu.memory_space<hbm>> -> memref<32x768xf32, #tpu.memory_space<hbm>>
    tpu.enqueue_dma source(%arg7 : memref<32x768xf32, #tpu.memory_space<vmem>>) target(%dma_start3A_53 : memref<32x768xf32, #tpu.memory_space<hbm>>) target_semaphore(%arg17 : memref<!tpu.dma_semaphore, #tpu.memory_space<semaphore_mem>>)
    %dma_start3A_54 = arith.constant 96 : i32
    %dma_start3A_55 = tpu.memref_slice %arg6[%dma_start3A_54] : memref<512xi32, #tpu.memory_space<vmem>> -> memref<32xi32, #tpu.memory_space<vmem>>
    %dma_start3A_56 = arith.constant 0 : i32
    %dma_start3A_57 = arith.constant 0 : i32
    %dma_start3A_58 = tpu.memref_slice %arg2[%dma_start3A_56, %dma_start3A_57] : memref<65536x768xf32, #tpu.memory_space<hbm>> -> memref<65536x768xf32, #tpu.memory_space<hbm>>
    tpu.enqueue_indirect_dma source(%dma_start3A_58 : memref<65536x768xf32, #tpu.memory_space<hbm>>) target(%arg10 : memref<32x768xf32, #tpu.memory_space<vmem>>) offsets(%dma_start3A_55 : memref<32xi32, #tpu.memory_space<vmem>>) semaphore(%arg15 : memref<!tpu.dma_semaphore, #tpu.memory_space<semaphore_mem>>)
    %dma_wait3A_59 = arith.constant 32 : i32
    %dma_wait3A_60 = tpu.memref_slice %arg6[%dma_wait3A_59] : memref<512xi32, #tpu.memory_space<vmem>> -> memref<32xi32, #tpu.memory_space<vmem>>
    %dma_wait3A_61 = arith.constant 0 : i32
    %dma_wait3A_62 = arith.constant 0 : i32
    %dma_wait3A_63 = tpu.memref_slice %arg2[%dma_wait3A_61, %dma_wait3A_62] : memref<65536x768xf32, #tpu.memory_space<hbm>> -> memref<65536x768xf32, #tpu.memory_space<hbm>>
    tpu.wait_indirect_dma semaphore(%arg13 : memref<!tpu.dma_semaphore, #tpu.memory_space<semaphore_mem>>) src(%dma_wait3A_63 : memref<65536x768xf32, #tpu.memory_space<hbm>>) dst(%arg8 : memref<32x768xf32, #tpu.memory_space<vmem>>)
    %add3A_64 = arith.constant 32 : i32
    %add3A_65 = arith.addi %mul3A_2, %add3A_64 : i32
    %dma_start3A_66 = arith.constant 0 : i32
    %dma_start3A_67 = tpu.memref_slice %arg4[%add3A_65, %dma_start3A_66] : memref<16384x768xf32, #tpu.memory_space<hbm>> -> memref<32x768xf32, #tpu.memory_space<hbm>>
    %dma_start3A_68 = arith.constant 0 : i32
    %dma_start3A_69 = tpu.memref_slice %arg4[%add3A_65, %dma_start3A_68] : memref<16384x768xf32, #tpu.memory_space<hbm>> -> memref<32x768xf32, #tpu.memory_space<hbm>>
    tpu.enqueue_dma source(%arg8 : memref<32x768xf32, #tpu.memory_space<vmem>>) target(%dma_start3A_69 : memref<32x768xf32, #tpu.memory_space<hbm>>) target_semaphore(%arg18 : memref<!tpu.dma_semaphore, #tpu.memory_space<semaphore_mem>>)
    %dma_start3A_70 = arith.constant 128 : i32
    %dma_start3A_71 = tpu.memref_slice %arg6[%dma_start3A_70] : memref<512xi32, #tpu.memory_space<vmem>> -> memref<32xi32, #tpu.memory_space<vmem>>
    %dma_start3A_72 = arith.constant 0 : i32
    %dma_start3A_73 = arith.constant 0 : i32
    %dma_start3A_74 = tpu.memref_slice %arg2[%dma_start3A_72, %dma_start3A_73] : memref<65536x768xf32, #tpu.memory_space<hbm>> -> memref<65536x768xf32, #tpu.memory_space<hbm>>
    tpu.enqueue_indirect_dma source(%dma_start3A_74 : memref<65536x768xf32, #tpu.memory_space<hbm>>) target(%arg11 : memref<32x768xf32, #tpu.memory_space<vmem>>) offsets(%dma_start3A_71 : memref<32xi32, #tpu.memory_space<vmem>>) semaphore(%arg16 : memref<!tpu.dma_semaphore, #tpu.memory_space<semaphore_mem>>)
    %dma_wait3A_75 = arith.constant 64 : i32
    %dma_wait3A_76 = tpu.memref_slice %arg6[%dma_wait3A_75] : memref<512xi32, #tpu.memory_space<vmem>> -> memref<32xi32, #tpu.memory_space<vmem>>
    %dma_wait3A_77 = arith.constant 0 : i32
    %dma_wait3A_78 = arith.constant 0 : i32
    %dma_wait3A_79 = tpu.memref_slice %arg2[%dma_wait3A_77, %dma_wait3A_78] : memref<65536x768xf32, #tpu.memory_space<hbm>> -> memref<65536x768xf32, #tpu.memory_space<hbm>>
    tpu.wait_indirect_dma semaphore(%arg14 : memref<!tpu.dma_semaphore, #tpu.memory_space<semaphore_mem>>) src(%dma_wait3A_79 : memref<65536x768xf32, #tpu.memory_space<hbm>>) dst(%arg9 : memref<32x768xf32, #tpu.memory_space<vmem>>)
    %add3A_80 = arith.constant 64 : i32
    %add3A_81 = arith.addi %mul3A_2, %add3A_80 : i32
    %dma_start3A_82 = arith.constant 0 : i32
    %dma_start3A_83 = tpu.memref_slice %arg4[%add3A_81, %dma_start3A_82] : memref<16384x768xf32, #tpu.memory_space<hbm>> -> memref<32x768xf32, #tpu.memory_space<hbm>>
    %dma_start3A_84 = arith.constant 0 : i32
    %dma_start3A_85 = tpu.memref_slice %arg4[%add3A_81, %dma_start3A_84] : memref<16384x768xf32, #tpu.memory_space<hbm>> -> memref<32x768xf32, #tpu.memory_space<hbm>>
    tpu.enqueue_dma source(%arg9 : memref<32x768xf32, #tpu.memory_space<vmem>>) target(%dma_start3A_85 : memref<32x768xf32, #tpu.memory_space<hbm>>) target_semaphore(%arg19 : memref<!tpu.dma_semaphore, #tpu.memory_space<semaphore_mem>>)
    %dma_wait3A_86 = arith.constant 0 : i32
    %dma_wait3A_87 = tpu.memref_slice %arg4[%add3A_49, %dma_wait3A_86] : memref<16384x768xf32, #tpu.memory_space<hbm>> -> memref<32x768xf32, #tpu.memory_space<hbm>>
    %dma_wait3A_88 = arith.constant 0 : i32
    %dma_wait3A_89 = tpu.memref_slice %arg4[%add3A_49, %dma_wait3A_88] : memref<16384x768xf32, #tpu.memory_space<hbm>> -> memref<32x768xf32, #tpu.memory_space<hbm>>
    tpu.wait_dma2 semaphore(%arg17 : memref<!tpu.dma_semaphore, #tpu.memory_space<semaphore_mem>>) src(%arg7 : memref<32x768xf32, #tpu.memory_space<vmem>>) dst(%dma_wait3A_89 : memref<32x768xf32, #tpu.memory_space<hbm>>)
    %dma_start3A_90 = arith.constant 160 : i32
    %dma_start3A_91 = tpu.memref_slice %arg6[%dma_start3A_90] : memref<512xi32, #tpu.memory_space<vmem>> -> memref<32xi32, #tpu.memory_space<vmem>>
    %dma_start3A_92 = arith.constant 0 : i32
    %dma_start3A_93 = arith.constant 0 : i32
    %dma_start3A_94 = tpu.memref_slice %arg2[%dma_start3A_92, %dma_start3A_93] : memref<65536x768xf32, #tpu.memory_space<hbm>> -> memref<65536x768xf32, #tpu.memory_space<hbm>>
    tpu.enqueue_indirect_dma source(%dma_start3A_94 : memref<65536x768xf32, #tpu.memory_space<hbm>>) target(%arg7 : memref<32x768xf32, #tpu.memory_space<vmem>>) offsets(%dma_start3A_91 : memref<32xi32, #tpu.memory_space<vmem>>) semaphore(%arg12 : memref<!tpu.dma_semaphore, #tpu.memory_space<semaphore_mem>>)
    %dma_wait3A_95 = arith.constant 96 : i32
    %dma_wait3A_96 = tpu.memref_slice %arg6[%dma_wait3A_95] : memref<512xi32, #tpu.memory_space<vmem>> -> memref<32xi32, #tpu.memory_space<vmem>>
    %dma_wait3A_97 = arith.constant 0 : i32
    %dma_wait3A_98 = arith.constant 0 : i32
    %dma_wait3A_99 = tpu.memref_slice %arg2[%dma_wait3A_97, %dma_wait3A_98] : memref<65536x768xf32, #tpu.memory_space<hbm>> -> memref<65536x768xf32, #tpu.memory_space<hbm>>
    tpu.wait_indirect_dma semaphore(%arg15 : memref<!tpu.dma_semaphore, #tpu.memory_space<semaphore_mem>>) src(%dma_wait3A_99 : memref<65536x768xf32, #tpu.memory_space<hbm>>) dst(%arg10 : memref<32x768xf32, #tpu.memory_space<vmem>>)
    %add3A_100 = arith.constant 96 : i32
    %add3A_101 = arith.addi %mul3A_2, %add3A_100 : i32
    %dma_start3A_102 = arith.constant 0 : i32
    %dma_start3A_103 = tpu.memref_slice %arg4[%add3A_101, %dma_start3A_102] : memref<16384x768xf32, #tpu.memory_space<hbm>> -> memref<32x768xf32, #tpu.memory_space<hbm>>
    %dma_start3A_104 = arith.constant 0 : i32
    %dma_start3A_105 = tpu.memref_slice %arg4[%add3A_101, %dma_start3A_104] : memref<16384x768xf32, #tpu.memory_space<hbm>> -> memref<32x768xf32, #tpu.memory_space<hbm>>
    tpu.enqueue_dma source(%arg10 : memref<32x768xf32, #tpu.memory_space<vmem>>) target(%dma_start3A_105 : memref<32x768xf32, #tpu.memory_space<hbm>>) target_semaphore(%arg20 : memref<!tpu.dma_semaphore, #tpu.memory_space<semaphore_mem>>)
    %dma_wait3A_106 = arith.constant 0 : i32
    %dma_wait3A_107 = tpu.memref_slice %arg4[%add3A_65, %dma_wait3A_106] : memref<16384x768xf32, #tpu.memory_space<hbm>> -> memref<32x768xf32, #tpu.memory_space<hbm>>
    %dma_wait3A_108 = arith.constant 0 : i32
    %dma_wait3A_109 = tpu.memref_slice %arg4[%add3A_65, %dma_wait3A_108] : memref<16384x768xf32, #tpu.memory_space<hbm>> -> memref<32x768xf32, #tpu.memory_space<hbm>>
    tpu.wait_dma2 semaphore(%arg18 : memref<!tpu.dma_semaphore, #tpu.memory_space<semaphore_mem>>) src(%arg8 : memref<32x768xf32, #tpu.memory_space<vmem>>) dst(%dma_wait3A_109 : memref<32x768xf32, #tpu.memory_space<hbm>>)
    %dma_start3A_110 = arith.constant 192 : i32
    %dma_start3A_111 = tpu.memref_slice %arg6[%dma_start3A_110] : memref<512xi32, #tpu.memory_space<vmem>> -> memref<32xi32, #tpu.memory_space<vmem>>
    %dma_start3A_112 = arith.constant 0 : i32
    %dma_start3A_113 = arith.constant 0 : i32
    %dma_start3A_114 = tpu.memref_slice %arg2[%dma_start3A_112, %dma_start3A_113] : memref<65536x768xf32, #tpu.memory_space<hbm>> -> memref<65536x768xf32, #tpu.memory_space<hbm>>
    tpu.enqueue_indirect_dma source(%dma_start3A_114 : memref<65536x768xf32, #tpu.memory_space<hbm>>) target(%arg8 : memref<32x768xf32, #tpu.memory_space<vmem>>) offsets(%dma_start3A_111 : memref<32xi32, #tpu.memory_space<vmem>>) semaphore(%arg13 : memref<!tpu.dma_semaphore, #tpu.memory_space<semaphore_mem>>)
    %dma_wait3A_115 = arith.constant 128 : i32
    %dma_wait3A_116 = tpu.memref_slice %arg6[%dma_wait3A_115] : memref<512xi32, #tpu.memory_space<vmem>> -> memref<32xi32, #tpu.memory_space<vmem>>
    %dma_wait3A_117 = arith.constant 0 : i32
    %dma_wait3A_118 = arith.constant 0 : i32
    %dma_wait3A_119 = tpu.memref_slice %arg2[%dma_wait3A_117, %dma_wait3A_118] : memref<65536x768xf32, #tpu.memory_space<hbm>> -> memref<65536x768xf32, #tpu.memory_space<hbm>>
    tpu.wait_indirect_dma semaphore(%arg16 : memref<!tpu.dma_semaphore, #tpu.memory_space<semaphore_mem>>) src(%dma_wait3A_119 : memref<65536x768xf32, #tpu.memory_space<hbm>>) dst(%arg11 : memref<32x768xf32, #tpu.memory_space<vmem>>)
    %add3A_120 = arith.constant 128 : i32
    %add3A_121 = arith.addi %mul3A_2, %add3A_120 : i32
    %dma_start3A_122 = arith.constant 0 : i32
    %dma_start3A_123 = tpu.memref_slice %arg4[%add3A_121, %dma_start3A_122] : memref<16384x768xf32, #tpu.memory_space<hbm>> -> memref<32x768xf32, #tpu.memory_space<hbm>>
    %dma_start3A_124 = arith.constant 0 : i32
    %dma_start3A_125 = tpu.memref_slice %arg4[%add3A_121, %dma_start3A_124] : memref<16384x768xf32, #tpu.memory_space<hbm>> -> memref<32x768xf32, #tpu.memory_space<hbm>>
    tpu.enqueue_dma source(%arg11 : memref<32x768xf32, #tpu.memory_space<vmem>>) target(%dma_start3A_125 : memref<32x768xf32, #tpu.memory_space<hbm>>) target_semaphore(%arg21 : memref<!tpu.dma_semaphore, #tpu.memory_space<semaphore_mem>>)
    %dma_wait3A_126 = arith.constant 0 : i32
    %dma_wait3A_127 = tpu.memref_slice %arg4[%add3A_81, %dma_wait3A_126] : memref<16384x768xf32, #tpu.memory_space<hbm>> -> memref<32x768xf32, #tpu.memory_space<hbm>>
    %dma_wait3A_128 = arith.constant 0 : i32
    %dma_wait3A_129 = tpu.memref_slice %arg4[%add3A_81, %dma_wait3A_128] : memref<16384x768xf32, #tpu.memory_space<hbm>> -> memref<32x768xf32, #tpu.memory_space<hbm>>
    tpu.wait_dma2 semaphore(%arg19 : memref<!tpu.dma_semaphore, #tpu.memory_space<semaphore_mem>>) src(%arg9 : memref<32x768xf32, #tpu.memory_space<vmem>>) dst(%dma_wait3A_129 : memref<32x768xf32, #tpu.memory_space<hbm>>)
    %dma_start3A_130 = arith.constant 224 : i32
    %dma_start3A_131 = tpu.memref_slice %arg6[%dma_start3A_130] : memref<512xi32, #tpu.memory_space<vmem>> -> memref<32xi32, #tpu.memory_space<vmem>>
    %dma_start3A_132 = arith.constant 0 : i32
    %dma_start3A_133 = arith.constant 0 : i32
    %dma_start3A_134 = tpu.memref_slice %arg2[%dma_start3A_132, %dma_start3A_133] : memref<65536x768xf32, #tpu.memory_space<hbm>> -> memref<65536x768xf32, #tpu.memory_space<hbm>>
    tpu.enqueue_indirect_dma source(%dma_start3A_134 : memref<65536x768xf32, #tpu.memory_space<hbm>>) target(%arg9 : memref<32x768xf32, #tpu.memory_space<vmem>>) offsets(%dma_start3A_131 : memref<32xi32, #tpu.memory_space<vmem>>) semaphore(%arg14 : memref<!tpu.dma_semaphore, #tpu.memory_space<semaphore_mem>>)
    %dma_wait3A_135 = arith.constant 160 : i32
    %dma_wait3A_136 = tpu.memref_slice %arg6[%dma_wait3A_135] : memref<512xi32, #tpu.memory_space<vmem>> -> memref<32xi32, #tpu.memory_space<vmem>>
    %dma_wait3A_137 = arith.constant 0 : i32
    %dma_wait3A_138 = arith.constant 0 : i32
    %dma_wait3A_139 = tpu.memref_slice %arg2[%dma_wait3A_137, %dma_wait3A_138] : memref<65536x768xf32, #tpu.memory_space<hbm>> -> memref<65536x768xf32, #tpu.memory_space<hbm>>
    tpu.wait_indirect_dma semaphore(%arg12 : memref<!tpu.dma_semaphore, #tpu.memory_space<semaphore_mem>>) src(%dma_wait3A_139 : memref<65536x768xf32, #tpu.memory_space<hbm>>) dst(%arg7 : memref<32x768xf32, #tpu.memory_space<vmem>>)
    %add3A_140 = arith.constant 160 : i32
    %add3A_141 = arith.addi %mul3A_2, %add3A_140 : i32
    %dma_start3A_142 = arith.constant 0 : i32
    %dma_start3A_143 = tpu.memref_slice %arg4[%add3A_141, %dma_start3A_142] : memref<16384x768xf32, #tpu.memory_space<hbm>> -> memref<32x768xf32, #tpu.memory_space<hbm>>
    %dma_start3A_144 = arith.constant 0 : i32
    %dma_start3A_145 = tpu.memref_slice %arg4[%add3A_141, %dma_start3A_144] : memref<16384x768xf32, #tpu.memory_space<hbm>> -> memref<32x768xf32, #tpu.memory_space<hbm>>
    tpu.enqueue_dma source(%arg7 : memref<32x768xf32, #tpu.memory_space<vmem>>) target(%dma_start3A_145 : memref<32x768xf32, #tpu.memory_space<hbm>>) target_semaphore(%arg17 : memref<!tpu.dma_semaphore, #tpu.memory_space<semaphore_mem>>)
    %dma_wait3A_146 = arith.constant 0 : i32
    %dma_wait3A_147 = tpu.memref_slice %arg4[%add3A_101, %dma_wait3A_146] : memref<16384x768xf32, #tpu.memory_space<hbm>> -> memref<32x768xf32, #tpu.memory_space<hbm>>
    %dma_wait3A_148 = arith.constant 0 : i32
    %dma_wait3A_149 = tpu.memref_slice %arg4[%add3A_101, %dma_wait3A_148] : memref<16384x768xf32, #tpu.memory_space<hbm>> -> memref<32x768xf32, #tpu.memory_space<hbm>>
    tpu.wait_dma2 semaphore(%arg20 : memref<!tpu.dma_semaphore, #tpu.memory_space<semaphore_mem>>) src(%arg10 : memref<32x768xf32, #tpu.memory_space<vmem>>) dst(%dma_wait3A_149 : memref<32x768xf32, #tpu.memory_space<hbm>>)
    %dma_start3A_150 = arith.constant 256 : i32
    %dma_start3A_151 = tpu.memref_slice %arg6[%dma_start3A_150] : memref<512xi32, #tpu.memory_space<vmem>> -> memref<32xi32, #tpu.memory_space<vmem>>
    %dma_start3A_152 = arith.constant 0 : i32
    %dma_start3A_153 = arith.constant 0 : i32
    %dma_start3A_154 = tpu.memref_slice %arg2[%dma_start3A_152, %dma_start3A_153] : memref<65536x768xf32, #tpu.memory_space<hbm>> -> memref<65536x768xf32, #tpu.memory_space<hbm>>
    tpu.enqueue_indirect_dma source(%dma_start3A_154 : memref<65536x768xf32, #tpu.memory_space<hbm>>) target(%arg10 : memref<32x768xf32, #tpu.memory_space<vmem>>) offsets(%dma_start3A_151 : memref<32xi32, #tpu.memory_space<vmem>>) semaphore(%arg15 : memref<!tpu.dma_semaphore, #tpu.memory_space<semaphore_mem>>)
    %dma_wait3A_155 = arith.constant 192 : i32
    %dma_wait3A_156 = tpu.memref_slice %arg6[%dma_wait3A_155] : memref<512xi32, #tpu.memory_space<vmem>> -> memref<32xi32, #tpu.memory_space<vmem>>
    %dma_wait3A_157 = arith.constant 0 : i32
    %dma_wait3A_158 = arith.constant 0 : i32
    %dma_wait3A_159 = tpu.memref_slice %arg2[%dma_wait3A_157, %dma_wait3A_158] : memref<65536x768xf32, #tpu.memory_space<hbm>> -> memref<65536x768xf32, #tpu.memory_space<hbm>>
    tpu.wait_indirect_dma semaphore(%arg13 : memref<!tpu.dma_semaphore, #tpu.memory_space<semaphore_mem>>) src(%dma_wait3A_159 : memref<65536x768xf32, #tpu.memory_space<hbm>>) dst(%arg8 : memref<32x768xf32, #tpu.memory_space<vmem>>)
    %add3A_160 = arith.constant 192 : i32
    %add3A_161 = arith.addi %mul3A_2, %add3A_160 : i32
    %dma_start3A_162 = arith.constant 0 : i32
    %dma_start3A_163 = tpu.memref_slice %arg4[%add3A_161, %dma_start3A_162] : memref<16384x768xf32, #tpu.memory_space<hbm>> -> memref<32x768xf32, #tpu.memory_space<hbm>>
    %dma_start3A_164 = arith.constant 0 : i32
    %dma_start3A_165 = tpu.memref_slice %arg4[%add3A_161, %dma_start3A_164] : memref<16384x768xf32, #tpu.memory_space<hbm>> -> memref<32x768xf32, #tpu.memory_space<hbm>>
    tpu.enqueue_dma source(%arg8 : memref<32x768xf32, #tpu.memory_space<vmem>>) target(%dma_start3A_165 : memref<32x768xf32, #tpu.memory_space<hbm>>) target_semaphore(%arg18 : memref<!tpu.dma_semaphore, #tpu.memory_space<semaphore_mem>>)
    %dma_wait3A_166 = arith.constant 0 : i32
    %dma_wait3A_167 = tpu.memref_slice %arg4[%add3A_121, %dma_wait3A_166] : memref<16384x768xf32, #tpu.memory_space<hbm>> -> memref<32x768xf32, #tpu.memory_space<hbm>>
    %dma_wait3A_168 = arith.constant 0 : i32
    %dma_wait3A_169 = tpu.memref_slice %arg4[%add3A_121, %dma_wait3A_168] : memref<16384x768xf32, #tpu.memory_space<hbm>> -> memref<32x768xf32, #tpu.memory_space<hbm>>
    tpu.wait_dma2 semaphore(%arg21 : memref<!tpu.dma_semaphore, #tpu.memory_space<semaphore_mem>>) src(%arg11 : memref<32x768xf32, #tpu.memory_space<vmem>>) dst(%dma_wait3A_169 : memref<32x768xf32, #tpu.memory_space<hbm>>)
    %dma_start3A_170 = arith.constant 288 : i32
    %dma_start3A_171 = tpu.memref_slice %arg6[%dma_start3A_170] : memref<512xi32, #tpu.memory_space<vmem>> -> memref<32xi32, #tpu.memory_space<vmem>>
    %dma_start3A_172 = arith.constant 0 : i32
    %dma_start3A_173 = arith.constant 0 : i32
    %dma_start3A_174 = tpu.memref_slice %arg2[%dma_start3A_172, %dma_start3A_173] : memref<65536x768xf32, #tpu.memory_space<hbm>> -> memref<65536x768xf32, #tpu.memory_space<hbm>>
    tpu.enqueue_indirect_dma source(%dma_start3A_174 : memref<65536x768xf32, #tpu.memory_space<hbm>>) target(%arg11 : memref<32x768xf32, #tpu.memory_space<vmem>>) offsets(%dma_start3A_171 : memref<32xi32, #tpu.memory_space<vmem>>) semaphore(%arg16 : memref<!tpu.dma_semaphore, #tpu.memory_space<semaphore_mem>>)
    %dma_wait3A_175 = arith.constant 224 : i32
    %dma_wait3A_176 = tpu.memref_slice %arg6[%dma_wait3A_175] : memref<512xi32, #tpu.memory_space<vmem>> -> memref<32xi32, #tpu.memory_space<vmem>>
    %dma_wait3A_177 = arith.constant 0 : i32
    %dma_wait3A_178 = arith.constant 0 : i32
    %dma_wait3A_179 = tpu.memref_slice %arg2[%dma_wait3A_177, %dma_wait3A_178] : memref<65536x768xf32, #tpu.memory_space<hbm>> -> memref<65536x768xf32, #tpu.memory_space<hbm>>
    tpu.wait_indirect_dma semaphore(%arg14 : memref<!tpu.dma_semaphore, #tpu.memory_space<semaphore_mem>>) src(%dma_wait3A_179 : memref<65536x768xf32, #tpu.memory_space<hbm>>) dst(%arg9 : memref<32x768xf32, #tpu.memory_space<vmem>>)
    %add3A_180 = arith.constant 224 : i32
    %add3A_181 = arith.addi %mul3A_2, %add3A_180 : i32
    %dma_start3A_182 = arith.constant 0 : i32
    %dma_start3A_183 = tpu.memref_slice %arg4[%add3A_181, %dma_start3A_182] : memref<16384x768xf32, #tpu.memory_space<hbm>> -> memref<32x768xf32, #tpu.memory_space<hbm>>
    %dma_start3A_184 = arith.constant 0 : i32
    %dma_start3A_185 = tpu.memref_slice %arg4[%add3A_181, %dma_start3A_184] : memref<16384x768xf32, #tpu.memory_space<hbm>> -> memref<32x768xf32, #tpu.memory_space<hbm>>
    tpu.enqueue_dma source(%arg9 : memref<32x768xf32, #tpu.memory_space<vmem>>) target(%dma_start3A_185 : memref<32x768xf32, #tpu.memory_space<hbm>>) target_semaphore(%arg19 : memref<!tpu.dma_semaphore, #tpu.memory_space<semaphore_mem>>)
    %dma_wait3A_186 = arith.constant 0 : i32
    %dma_wait3A_187 = tpu.memref_slice %arg4[%add3A_141, %dma_wait3A_186] : memref<16384x768xf32, #tpu.memory_space<hbm>> -> memref<32x768xf32, #tpu.memory_space<hbm>>
    %dma_wait3A_188 = arith.constant 0 : i32
    %dma_wait3A_189 = tpu.memref_slice %arg4[%add3A_141, %dma_wait3A_188] : memref<16384x768xf32, #tpu.memory_space<hbm>> -> memref<32x768xf32, #tpu.memory_space<hbm>>
    tpu.wait_dma2 semaphore(%arg17 : memref<!tpu.dma_semaphore, #tpu.memory_space<semaphore_mem>>) src(%arg7 : memref<32x768xf32, #tpu.memory_space<vmem>>) dst(%dma_wait3A_189 : memref<32x768xf32, #tpu.memory_space<hbm>>)
    %dma_start3A_190 = arith.constant 320 : i32
    %dma_start3A_191 = tpu.memref_slice %arg6[%dma_start3A_190] : memref<512xi32, #tpu.memory_space<vmem>> -> memref<32xi32, #tpu.memory_space<vmem>>
    %dma_start3A_192 = arith.constant 0 : i32
    %dma_start3A_193 = arith.constant 0 : i32
    %dma_start3A_194 = tpu.memref_slice %arg2[%dma_start3A_192, %dma_start3A_193] : memref<65536x768xf32, #tpu.memory_space<hbm>> -> memref<65536x768xf32, #tpu.memory_space<hbm>>
    tpu.enqueue_indirect_dma source(%dma_start3A_194 : memref<65536x768xf32, #tpu.memory_space<hbm>>) target(%arg7 : memref<32x768xf32, #tpu.memory_space<vmem>>) offsets(%dma_start3A_191 : memref<32xi32, #tpu.memory_space<vmem>>) semaphore(%arg12 : memref<!tpu.dma_semaphore, #tpu.memory_space<semaphore_mem>>)
    %dma_wait3A_195 = arith.constant 256 : i32
    %dma_wait3A_196 = tpu.memref_slice %arg6[%dma_wait3A_195] : memref<512xi32, #tpu.memory_space<vmem>> -> memref<32xi32, #tpu.memory_space<vmem>>
    %dma_wait3A_197 = arith.constant 0 : i32
    %dma_wait3A_198 = arith.constant 0 : i32
    %dma_wait3A_199 = tpu.memref_slice %arg2[%dma_wait3A_197, %dma_wait3A_198] : memref<65536x768xf32, #tpu.memory_space<hbm>> -> memref<65536x768xf32, #tpu.memory_space<hbm>>
    tpu.wait_indirect_dma semaphore(%arg15 : memref<!tpu.dma_semaphore, #tpu.memory_space<semaphore_mem>>) src(%dma_wait3A_199 : memref<65536x768xf32, #tpu.memory_space<hbm>>) dst(%arg10 : memref<32x768xf32, #tpu.memory_space<vmem>>)
    %add3A_200 = arith.constant 256 : i32
    %add3A_201 = arith.addi %mul3A_2, %add3A_200 : i32
    %dma_start3A_202 = arith.constant 0 : i32
    %dma_start3A_203 = tpu.memref_slice %arg4[%add3A_201, %dma_start3A_202] : memref<16384x768xf32, #tpu.memory_space<hbm>> -> memref<32x768xf32, #tpu.memory_space<hbm>>
    %dma_start3A_204 = arith.constant 0 : i32
    %dma_start3A_205 = tpu.memref_slice %arg4[%add3A_201, %dma_start3A_204] : memref<16384x768xf32, #tpu.memory_space<hbm>> -> memref<32x768xf32, #tpu.memory_space<hbm>>
    tpu.enqueue_dma source(%arg10 : memref<32x768xf32, #tpu.memory_space<vmem>>) target(%dma_start3A_205 : memref<32x768xf32, #tpu.memory_space<hbm>>) target_semaphore(%arg20 : memref<!tpu.dma_semaphore, #tpu.memory_space<semaphore_mem>>)
    %dma_wait3A_206 = arith.constant 0 : i32
    %dma_wait3A_207 = tpu.memref_slice %arg4[%add3A_161, %dma_wait3A_206] : memref<16384x768xf32, #tpu.memory_space<hbm>> -> memref<32x768xf32, #tpu.memory_space<hbm>>
    %dma_wait3A_208 = arith.constant 0 : i32
    %dma_wait3A_209 = tpu.memref_slice %arg4[%add3A_161, %dma_wait3A_208] : memref<16384x768xf32, #tpu.memory_space<hbm>> -> memref<32x768xf32, #tpu.memory_space<hbm>>
    tpu.wait_dma2 semaphore(%arg18 : memref<!tpu.dma_semaphore, #tpu.memory_space<semaphore_mem>>) src(%arg8 : memref<32x768xf32, #tpu.memory_space<vmem>>) dst(%dma_wait3A_209 : memref<32x768xf32, #tpu.memory_space<hbm>>)
    %dma_start3A_210 = arith.constant 352 : i32
    %dma_start3A_211 = tpu.memref_slice %arg6[%dma_start3A_210] : memref<512xi32, #tpu.memory_space<vmem>> -> memref<32xi32, #tpu.memory_space<vmem>>
    %dma_start3A_212 = arith.constant 0 : i32
    %dma_start3A_213 = arith.constant 0 : i32
    %dma_start3A_214 = tpu.memref_slice %arg2[%dma_start3A_212, %dma_start3A_213] : memref<65536x768xf32, #tpu.memory_space<hbm>> -> memref<65536x768xf32, #tpu.memory_space<hbm>>
    tpu.enqueue_indirect_dma source(%dma_start3A_214 : memref<65536x768xf32, #tpu.memory_space<hbm>>) target(%arg8 : memref<32x768xf32, #tpu.memory_space<vmem>>) offsets(%dma_start3A_211 : memref<32xi32, #tpu.memory_space<vmem>>) semaphore(%arg13 : memref<!tpu.dma_semaphore, #tpu.memory_space<semaphore_mem>>)
    %dma_wait3A_215 = arith.constant 288 : i32
    %dma_wait3A_216 = tpu.memref_slice %arg6[%dma_wait3A_215] : memref<512xi32, #tpu.memory_space<vmem>> -> memref<32xi32, #tpu.memory_space<vmem>>
    %dma_wait3A_217 = arith.constant 0 : i32
    %dma_wait3A_218 = arith.constant 0 : i32
    %dma_wait3A_219 = tpu.memref_slice %arg2[%dma_wait3A_217, %dma_wait3A_218] : memref<65536x768xf32, #tpu.memory_space<hbm>> -> memref<65536x768xf32, #tpu.memory_space<hbm>>
    tpu.wait_indirect_dma semaphore(%arg16 : memref<!tpu.dma_semaphore, #tpu.memory_space<semaphore_mem>>) src(%dma_wait3A_219 : memref<65536x768xf32, #tpu.memory_space<hbm>>) dst(%arg11 : memref<32x768xf32, #tpu.memory_space<vmem>>)
    %add3A_220 = arith.constant 288 : i32
    %add3A_221 = arith.addi %mul3A_2, %add3A_220 : i32
    %dma_start3A_222 = arith.constant 0 : i32
    %dma_start3A_223 = tpu.memref_slice %arg4[%add3A_221, %dma_start3A_222] : memref<16384x768xf32, #tpu.memory_space<hbm>> -> memref<32x768xf32, #tpu.memory_space<hbm>>
    %dma_start3A_224 = arith.constant 0 : i32
    %dma_start3A_225 = tpu.memref_slice %arg4[%add3A_221, %dma_start3A_224] : memref<16384x768xf32, #tpu.memory_space<hbm>> -> memref<32x768xf32, #tpu.memory_space<hbm>>
    tpu.enqueue_dma source(%arg11 : memref<32x768xf32, #tpu.memory_space<vmem>>) target(%dma_start3A_225 : memref<32x768xf32, #tpu.memory_space<hbm>>) target_semaphore(%arg21 : memref<!tpu.dma_semaphore, #tpu.memory_space<semaphore_mem>>)
    %dma_wait3A_226 = arith.constant 0 : i32
    %dma_wait3A_227 = tpu.memref_slice %arg4[%add3A_181, %dma_wait3A_226] : memref<16384x768xf32, #tpu.memory_space<hbm>> -> memref<32x768xf32, #tpu.memory_space<hbm>>
    %dma_wait3A_228 = arith.constant 0 : i32
    %dma_wait3A_229 = tpu.memref_slice %arg4[%add3A_181, %dma_wait3A_228] : memref<16384x768xf32, #tpu.memory_space<hbm>> -> memref<32x768xf32, #tpu.memory_space<hbm>>
    tpu.wait_dma2 semaphore(%arg19 : memref<!tpu.dma_semaphore, #tpu.memory_space<semaphore_mem>>) src(%arg9 : memref<32x768xf32, #tpu.memory_space<vmem>>) dst(%dma_wait3A_229 : memref<32x768xf32, #tpu.memory_space<hbm>>)
    %dma_start3A_230 = arith.constant 384 : i32
    %dma_start3A_231 = tpu.memref_slice %arg6[%dma_start3A_230] : memref<512xi32, #tpu.memory_space<vmem>> -> memref<32xi32, #tpu.memory_space<vmem>>
    %dma_start3A_232 = arith.constant 0 : i32
    %dma_start3A_233 = arith.constant 0 : i32
    %dma_start3A_234 = tpu.memref_slice %arg2[%dma_start3A_232, %dma_start3A_233] : memref<65536x768xf32, #tpu.memory_space<hbm>> -> memref<65536x768xf32, #tpu.memory_space<hbm>>
    tpu.enqueue_indirect_dma source(%dma_start3A_234 : memref<65536x768xf32, #tpu.memory_space<hbm>>) target(%arg9 : memref<32x768xf32, #tpu.memory_space<vmem>>) offsets(%dma_start3A_231 : memref<32xi32, #tpu.memory_space<vmem>>) semaphore(%arg14 : memref<!tpu.dma_semaphore, #tpu.memory_space<semaphore_mem>>)
    %dma_wait3A_235 = arith.constant 320 : i32
    %dma_wait3A_236 = tpu.memref_slice %arg6[%dma_wait3A_235] : memref<512xi32, #tpu.memory_space<vmem>> -> memref<32xi32, #tpu.memory_space<vmem>>
    %dma_wait3A_237 = arith.constant 0 : i32
    %dma_wait3A_238 = arith.constant 0 : i32
    %dma_wait3A_239 = tpu.memref_slice %arg2[%dma_wait3A_237, %dma_wait3A_238] : memref<65536x768xf32, #tpu.memory_space<hbm>> -> memref<65536x768xf32, #tpu.memory_space<hbm>>
    tpu.wait_indirect_dma semaphore(%arg12 : memref<!tpu.dma_semaphore, #tpu.memory_space<semaphore_mem>>) src(%dma_wait3A_239 : memref<65536x768xf32, #tpu.memory_space<hbm>>) dst(%arg7 : memref<32x768xf32, #tpu.memory_space<vmem>>)
    %add3A_240 = arith.constant 320 : i32
    %add3A_241 = arith.addi %mul3A_2, %add3A_240 : i32
    %dma_start3A_242 = arith.constant 0 : i32
    %dma_start3A_243 = tpu.memref_slice %arg4[%add3A_241, %dma_start3A_242] : memref<16384x768xf32, #tpu.memory_space<hbm>> -> memref<32x768xf32, #tpu.memory_space<hbm>>
    %dma_start3A_244 = arith.constant 0 : i32
    %dma_start3A_245 = tpu.memref_slice %arg4[%add3A_241, %dma_start3A_244] : memref<16384x768xf32, #tpu.memory_space<hbm>> -> memref<32x768xf32, #tpu.memory_space<hbm>>
    tpu.enqueue_dma source(%arg7 : memref<32x768xf32, #tpu.memory_space<vmem>>) target(%dma_start3A_245 : memref<32x768xf32, #tpu.memory_space<hbm>>) target_semaphore(%arg17 : memref<!tpu.dma_semaphore, #tpu.memory_space<semaphore_mem>>)
    %dma_wait3A_246 = arith.constant 0 : i32
    %dma_wait3A_247 = tpu.memref_slice %arg4[%add3A_201, %dma_wait3A_246] : memref<16384x768xf32, #tpu.memory_space<hbm>> -> memref<32x768xf32, #tpu.memory_space<hbm>>
    %dma_wait3A_248 = arith.constant 0 : i32
    %dma_wait3A_249 = tpu.memref_slice %arg4[%add3A_201, %dma_wait3A_248] : memref<16384x768xf32, #tpu.memory_space<hbm>> -> memref<32x768xf32, #tpu.memory_space<hbm>>
    tpu.wait_dma2 semaphore(%arg20 : memref<!tpu.dma_semaphore, #tpu.memory_space<semaphore_mem>>) src(%arg10 : memref<32x768xf32, #tpu.memory_space<vmem>>) dst(%dma_wait3A_249 : memref<32x768xf32, #tpu.memory_space<hbm>>)
    %dma_start3A_250 = arith.constant 416 : i32
    %dma_start3A_251 = tpu.memref_slice %arg6[%dma_start3A_250] : memref<512xi32, #tpu.memory_space<vmem>> -> memref<32xi32, #tpu.memory_space<vmem>>
    %dma_start3A_252 = arith.constant 0 : i32
    %dma_start3A_253 = arith.constant 0 : i32
    %dma_start3A_254 = tpu.memref_slice %arg2[%dma_start3A_252, %dma_start3A_253] : memref<65536x768xf32, #tpu.memory_space<hbm>> -> memref<65536x768xf32, #tpu.memory_space<hbm>>
    tpu.enqueue_indirect_dma source(%dma_start3A_254 : memref<65536x768xf32, #tpu.memory_space<hbm>>) target(%arg10 : memref<32x768xf32, #tpu.memory_space<vmem>>) offsets(%dma_start3A_251 : memref<32xi32, #tpu.memory_space<vmem>>) semaphore(%arg15 : memref<!tpu.dma_semaphore, #tpu.memory_space<semaphore_mem>>)
    %dma_wait3A_255 = arith.constant 352 : i32
    %dma_wait3A_256 = tpu.memref_slice %arg6[%dma_wait3A_255] : memref<512xi32, #tpu.memory_space<vmem>> -> memref<32xi32, #tpu.memory_space<vmem>>
    %dma_wait3A_257 = arith.constant 0 : i32
    %dma_wait3A_258 = arith.constant 0 : i32
    %dma_wait3A_259 = tpu.memref_slice %arg2[%dma_wait3A_257, %dma_wait3A_258] : memref<65536x768xf32, #tpu.memory_space<hbm>> -> memref<65536x768xf32, #tpu.memory_space<hbm>>
    tpu.wait_indirect_dma semaphore(%arg13 : memref<!tpu.dma_semaphore, #tpu.memory_space<semaphore_mem>>) src(%dma_wait3A_259 : memref<65536x768xf32, #tpu.memory_space<hbm>>) dst(%arg8 : memref<32x768xf32, #tpu.memory_space<vmem>>)
    %add3A_260 = arith.constant 352 : i32
    %add3A_261 = arith.addi %mul3A_2, %add3A_260 : i32
    %dma_start3A_262 = arith.constant 0 : i32
    %dma_start3A_263 = tpu.memref_slice %arg4[%add3A_261, %dma_start3A_262] : memref<16384x768xf32, #tpu.memory_space<hbm>> -> memref<32x768xf32, #tpu.memory_space<hbm>>
    %dma_start3A_264 = arith.constant 0 : i32
    %dma_start3A_265 = tpu.memref_slice %arg4[%add3A_261, %dma_start3A_264] : memref<16384x768xf32, #tpu.memory_space<hbm>> -> memref<32x768xf32, #tpu.memory_space<hbm>>
    tpu.enqueue_dma source(%arg8 : memref<32x768xf32, #tpu.memory_space<vmem>>) target(%dma_start3A_265 : memref<32x768xf32, #tpu.memory_space<hbm>>) target_semaphore(%arg18 : memref<!tpu.dma_semaphore, #tpu.memory_space<semaphore_mem>>)
    %dma_wait3A_266 = arith.constant 0 : i32
    %dma_wait3A_267 = tpu.memref_slice %arg4[%add3A_221, %dma_wait3A_266] : memref<16384x768xf32, #tpu.memory_space<hbm>> -> memref<32x768xf32, #tpu.memory_space<hbm>>
    %dma_wait3A_268 = arith.constant 0 : i32
    %dma_wait3A_269 = tpu.memref_slice %arg4[%add3A_221, %dma_wait3A_268] : memref<16384x768xf32, #tpu.memory_space<hbm>> -> memref<32x768xf32, #tpu.memory_space<hbm>>
    tpu.wait_dma2 semaphore(%arg21 : memref<!tpu.dma_semaphore, #tpu.memory_space<semaphore_mem>>) src(%arg11 : memref<32x768xf32, #tpu.memory_space<vmem>>) dst(%dma_wait3A_269 : memref<32x768xf32, #tpu.memory_space<hbm>>)
    %dma_start3A_270 = arith.constant 448 : i32
    %dma_start3A_271 = tpu.memref_slice %arg6[%dma_start3A_270] : memref<512xi32, #tpu.memory_space<vmem>> -> memref<32xi32, #tpu.memory_space<vmem>>
    %dma_start3A_272 = arith.constant 0 : i32
    %dma_start3A_273 = arith.constant 0 : i32
    %dma_start3A_274 = tpu.memref_slice %arg2[%dma_start3A_272, %dma_start3A_273] : memref<65536x768xf32, #tpu.memory_space<hbm>> -> memref<65536x768xf32, #tpu.memory_space<hbm>>
    tpu.enqueue_indirect_dma source(%dma_start3A_274 : memref<65536x768xf32, #tpu.memory_space<hbm>>) target(%arg11 : memref<32x768xf32, #tpu.memory_space<vmem>>) offsets(%dma_start3A_271 : memref<32xi32, #tpu.memory_space<vmem>>) semaphore(%arg16 : memref<!tpu.dma_semaphore, #tpu.memory_space<semaphore_mem>>)
    %dma_wait3A_275 = arith.constant 384 : i32
    %dma_wait3A_276 = tpu.memref_slice %arg6[%dma_wait3A_275] : memref<512xi32, #tpu.memory_space<vmem>> -> memref<32xi32, #tpu.memory_space<vmem>>
    %dma_wait3A_277 = arith.constant 0 : i32
    %dma_wait3A_278 = arith.constant 0 : i32
    %dma_wait3A_279 = tpu.memref_slice %arg2[%dma_wait3A_277, %dma_wait3A_278] : memref<65536x768xf32, #tpu.memory_space<hbm>> -> memref<65536x768xf32, #tpu.memory_space<hbm>>
    tpu.wait_indirect_dma semaphore(%arg14 : memref<!tpu.dma_semaphore, #tpu.memory_space<semaphore_mem>>) src(%dma_wait3A_279 : memref<65536x768xf32, #tpu.memory_space<hbm>>) dst(%arg9 : memref<32x768xf32, #tpu.memory_space<vmem>>)
    %add3A_280 = arith.constant 384 : i32
    %add3A_281 = arith.addi %mul3A_2, %add3A_280 : i32
    %dma_start3A_282 = arith.constant 0 : i32
    %dma_start3A_283 = tpu.memref_slice %arg4[%add3A_281, %dma_start3A_282] : memref<16384x768xf32, #tpu.memory_space<hbm>> -> memref<32x768xf32, #tpu.memory_space<hbm>>
    %dma_start3A_284 = arith.constant 0 : i32
    %dma_start3A_285 = tpu.memref_slice %arg4[%add3A_281, %dma_start3A_284] : memref<16384x768xf32, #tpu.memory_space<hbm>> -> memref<32x768xf32, #tpu.memory_space<hbm>>
    tpu.enqueue_dma source(%arg9 : memref<32x768xf32, #tpu.memory_space<vmem>>) target(%dma_start3A_285 : memref<32x768xf32, #tpu.memory_space<hbm>>) target_semaphore(%arg19 : memref<!tpu.dma_semaphore, #tpu.memory_space<semaphore_mem>>)
    %dma_wait3A_286 = arith.constant 0 : i32
    %dma_wait3A_287 = tpu.memref_slice %arg4[%add3A_241, %dma_wait3A_286] : memref<16384x768xf32, #tpu.memory_space<hbm>> -> memref<32x768xf32, #tpu.memory_space<hbm>>
    %dma_wait3A_288 = arith.constant 0 : i32
    %dma_wait3A_289 = tpu.memref_slice %arg4[%add3A_241, %dma_wait3A_288] : memref<16384x768xf32, #tpu.memory_space<hbm>> -> memref<32x768xf32, #tpu.memory_space<hbm>>
    tpu.wait_dma2 semaphore(%arg17 : memref<!tpu.dma_semaphore, #tpu.memory_space<semaphore_mem>>) src(%arg7 : memref<32x768xf32, #tpu.memory_space<vmem>>) dst(%dma_wait3A_289 : memref<32x768xf32, #tpu.memory_space<hbm>>)
    %dma_start3A_290 = arith.constant 480 : i32
    %dma_start3A_291 = tpu.memref_slice %arg6[%dma_start3A_290] : memref<512xi32, #tpu.memory_space<vmem>> -> memref<32xi32, #tpu.memory_space<vmem>>
    %dma_start3A_292 = arith.constant 0 : i32
    %dma_start3A_293 = arith.constant 0 : i32
    %dma_start3A_294 = tpu.memref_slice %arg2[%dma_start3A_292, %dma_start3A_293] : memref<65536x768xf32, #tpu.memory_space<hbm>> -> memref<65536x768xf32, #tpu.memory_space<hbm>>
    tpu.enqueue_indirect_dma source(%dma_start3A_294 : memref<65536x768xf32, #tpu.memory_space<hbm>>) target(%arg7 : memref<32x768xf32, #tpu.memory_space<vmem>>) offsets(%dma_start3A_291 : memref<32xi32, #tpu.memory_space<vmem>>) semaphore(%arg12 : memref<!tpu.dma_semaphore, #tpu.memory_space<semaphore_mem>>)
    %dma_wait3A_295 = arith.constant 416 : i32
    %dma_wait3A_296 = tpu.memref_slice %arg6[%dma_wait3A_295] : memref<512xi32, #tpu.memory_space<vmem>> -> memref<32xi32, #tpu.memory_space<vmem>>
    %dma_wait3A_297 = arith.constant 0 : i32
    %dma_wait3A_298 = arith.constant 0 : i32
    %dma_wait3A_299 = tpu.memref_slice %arg2[%dma_wait3A_297, %dma_wait3A_298] : memref<65536x768xf32, #tpu.memory_space<hbm>> -> memref<65536x768xf32, #tpu.memory_space<hbm>>
    tpu.wait_indirect_dma semaphore(%arg15 : memref<!tpu.dma_semaphore, #tpu.memory_space<semaphore_mem>>) src(%dma_wait3A_299 : memref<65536x768xf32, #tpu.memory_space<hbm>>) dst(%arg10 : memref<32x768xf32, #tpu.memory_space<vmem>>)
    %add3A_300 = arith.constant 416 : i32
    %add3A_301 = arith.addi %mul3A_2, %add3A_300 : i32
    %dma_start3A_302 = arith.constant 0 : i32
    %dma_start3A_303 = tpu.memref_slice %arg4[%add3A_301, %dma_start3A_302] : memref<16384x768xf32, #tpu.memory_space<hbm>> -> memref<32x768xf32, #tpu.memory_space<hbm>>
    %dma_start3A_304 = arith.constant 0 : i32
    %dma_start3A_305 = tpu.memref_slice %arg4[%add3A_301, %dma_start3A_304] : memref<16384x768xf32, #tpu.memory_space<hbm>> -> memref<32x768xf32, #tpu.memory_space<hbm>>
    tpu.enqueue_dma source(%arg10 : memref<32x768xf32, #tpu.memory_space<vmem>>) target(%dma_start3A_305 : memref<32x768xf32, #tpu.memory_space<hbm>>) target_semaphore(%arg20 : memref<!tpu.dma_semaphore, #tpu.memory_space<semaphore_mem>>)
    %dma_wait3A_306 = arith.constant 448 : i32
    %dma_wait3A_307 = tpu.memref_slice %arg6[%dma_wait3A_306] : memref<512xi32, #tpu.memory_space<vmem>> -> memref<32xi32, #tpu.memory_space<vmem>>
    %dma_wait3A_308 = arith.constant 0 : i32
    %dma_wait3A_309 = arith.constant 0 : i32
    %dma_wait3A_310 = tpu.memref_slice %arg2[%dma_wait3A_308, %dma_wait3A_309] : memref<65536x768xf32, #tpu.memory_space<hbm>> -> memref<65536x768xf32, #tpu.memory_space<hbm>>
    tpu.wait_indirect_dma semaphore(%arg16 : memref<!tpu.dma_semaphore, #tpu.memory_space<semaphore_mem>>) src(%dma_wait3A_310 : memref<65536x768xf32, #tpu.memory_space<hbm>>) dst(%arg11 : memref<32x768xf32, #tpu.memory_space<vmem>>)
    %add3A_311 = arith.constant 448 : i32
    %add3A_312 = arith.addi %mul3A_2, %add3A_311 : i32
    %dma_start3A_313 = arith.constant 0 : i32
    %dma_start3A_314 = tpu.memref_slice %arg4[%add3A_312, %dma_start3A_313] : memref<16384x768xf32, #tpu.memory_space<hbm>> -> memref<32x768xf32, #tpu.memory_space<hbm>>
    %dma_start3A_315 = arith.constant 0 : i32
    %dma_start3A_316 = tpu.memref_slice %arg4[%add3A_312, %dma_start3A_315] : memref<16384x768xf32, #tpu.memory_space<hbm>> -> memref<32x768xf32, #tpu.memory_space<hbm>>
    tpu.enqueue_dma source(%arg11 : memref<32x768xf32, #tpu.memory_space<vmem>>) target(%dma_start3A_316 : memref<32x768xf32, #tpu.memory_space<hbm>>) target_semaphore(%arg21 : memref<!tpu.dma_semaphore, #tpu.memory_space<semaphore_mem>>)
    %dma_wait3A_317 = arith.constant 480 : i32
    %dma_wait3A_318 = tpu.memref_slice %arg6[%dma_wait3A_317] : memref<512xi32, #tpu.memory_space<vmem>> -> memref<32xi32, #tpu.memory_space<vmem>>
    %dma_wait3A_319 = arith.constant 0 : i32
    %dma_wait3A_320 = arith.constant 0 : i32
    %dma_wait3A_321 = tpu.memref_slice %arg2[%dma_wait3A_319, %dma_wait3A_320] : memref<65536x768xf32, #tpu.memory_space<hbm>> -> memref<65536x768xf32, #tpu.memory_space<hbm>>
    tpu.wait_indirect_dma semaphore(%arg12 : memref<!tpu.dma_semaphore, #tpu.memory_space<semaphore_mem>>) src(%dma_wait3A_321 : memref<65536x768xf32, #tpu.memory_space<hbm>>) dst(%arg7 : memref<32x768xf32, #tpu.memory_space<vmem>>)
    %add3A_322 = arith.constant 480 : i32
    %add3A_323 = arith.addi %mul3A_2, %add3A_322 : i32
    %dma_start3A_324 = arith.constant 0 : i32
    %dma_start3A_325 = tpu.memref_slice %arg4[%add3A_323, %dma_start3A_324] : memref<16384x768xf32, #tpu.memory_space<hbm>> -> memref<32x768xf32, #tpu.memory_space<hbm>>
    %dma_start3A_326 = arith.constant 0 : i32
    %dma_start3A_327 = tpu.memref_slice %arg4[%add3A_323, %dma_start3A_326] : memref<16384x768xf32, #tpu.memory_space<hbm>> -> memref<32x768xf32, #tpu.memory_space<hbm>>
    tpu.enqueue_dma source(%arg7 : memref<32x768xf32, #tpu.memory_space<vmem>>) target(%dma_start3A_327 : memref<32x768xf32, #tpu.memory_space<hbm>>) target_semaphore(%arg17 : memref<!tpu.dma_semaphore, #tpu.memory_space<semaphore_mem>>)
    %dma_wait3A_328 = arith.constant 0 : i32
    %dma_wait3A_329 = tpu.memref_slice %arg4[%add3A_261, %dma_wait3A_328] : memref<16384x768xf32, #tpu.memory_space<hbm>> -> memref<32x768xf32, #tpu.memory_space<hbm>>
    %dma_wait3A_330 = arith.constant 0 : i32
    %dma_wait3A_331 = tpu.memref_slice %arg4[%add3A_261, %dma_wait3A_330] : memref<16384x768xf32, #tpu.memory_space<hbm>> -> memref<32x768xf32, #tpu.memory_space<hbm>>
    tpu.wait_dma2 semaphore(%arg18 : memref<!tpu.dma_semaphore, #tpu.memory_space<semaphore_mem>>) src(%arg8 : memref<32x768xf32, #tpu.memory_space<vmem>>) dst(%dma_wait3A_331 : memref<32x768xf32, #tpu.memory_space<hbm>>)
    %dma_wait3A_332 = arith.constant 0 : i32
    %dma_wait3A_333 = tpu.memref_slice %arg4[%add3A_281, %dma_wait3A_332] : memref<16384x768xf32, #tpu.memory_space<hbm>> -> memref<32x768xf32, #tpu.memory_space<hbm>>
    %dma_wait3A_334 = arith.constant 0 : i32
    %dma_wait3A_335 = tpu.memref_slice %arg4[%add3A_281, %dma_wait3A_334] : memref<16384x768xf32, #tpu.memory_space<hbm>> -> memref<32x768xf32, #tpu.memory_space<hbm>>
    tpu.wait_dma2 semaphore(%arg19 : memref<!tpu.dma_semaphore, #tpu.memory_space<semaphore_mem>>) src(%arg9 : memref<32x768xf32, #tpu.memory_space<vmem>>) dst(%dma_wait3A_335 : memref<32x768xf32, #tpu.memory_space<hbm>>)
    %dma_wait3A_336 = arith.constant 0 : i32
    %dma_wait3A_337 = tpu.memref_slice %arg4[%add3A_301, %dma_wait3A_336] : memref<16384x768xf32, #tpu.memory_space<hbm>> -> memref<32x768xf32, #tpu.memory_space<hbm>>
    %dma_wait3A_338 = arith.constant 0 : i32
    %dma_wait3A_339 = tpu.memref_slice %arg4[%add3A_301, %dma_wait3A_338] : memref<16384x768xf32, #tpu.memory_space<hbm>> -> memref<32x768xf32, #tpu.memory_space<hbm>>
    tpu.wait_dma2 semaphore(%arg20 : memref<!tpu.dma_semaphore, #tpu.memory_space<semaphore_mem>>) src(%arg10 : memref<32x768xf32, #tpu.memory_space<vmem>>) dst(%dma_wait3A_339 : memref<32x768xf32, #tpu.memory_space<hbm>>)
    %dma_wait3A_340 = arith.constant 0 : i32
    %dma_wait3A_341 = tpu.memref_slice %arg4[%add3A_312, %dma_wait3A_340] : memref<16384x768xf32, #tpu.memory_space<hbm>> -> memref<32x768xf32, #tpu.memory_space<hbm>>
    %dma_wait3A_342 = arith.constant 0 : i32
    %dma_wait3A_343 = tpu.memref_slice %arg4[%add3A_312, %dma_wait3A_342] : memref<16384x768xf32, #tpu.memory_space<hbm>> -> memref<32x768xf32, #tpu.memory_space<hbm>>
    tpu.wait_dma2 semaphore(%arg21 : memref<!tpu.dma_semaphore, #tpu.memory_space<semaphore_mem>>) src(%arg11 : memref<32x768xf32, #tpu.memory_space<vmem>>) dst(%dma_wait3A_343 : memref<32x768xf32, #tpu.memory_space<hbm>>)
    %dma_wait3A_344 = arith.constant 0 : i32
    %dma_wait3A_345 = tpu.memref_slice %arg4[%add3A_323, %dma_wait3A_344] : memref<16384x768xf32, #tpu.memory_space<hbm>> -> memref<32x768xf32, #tpu.memory_space<hbm>>
    %dma_wait3A_346 = arith.constant 0 : i32
    %dma_wait3A_347 = tpu.memref_slice %arg4[%add3A_323, %dma_wait3A_346] : memref<16384x768xf32, #tpu.memory_space<hbm>> -> memref<32x768xf32, #tpu.memory_space<hbm>>
    tpu.wait_dma2 semaphore(%arg17 : memref<!tpu.dma_semaphore, #tpu.memory_space<semaphore_mem>>) src(%arg7 : memref<32x768xf32, #tpu.memory_space<vmem>>) dst(%dma_wait3A_347 : memref<32x768xf32, #tpu.memory_space<hbm>>)
    return
  }
}

module attributes {stable_mosaic.version = 14 : i64} {
  func.func @_rank_body(%arg0: i32, %arg1: memref<8x1024x1xi32, #tpu.memory_space<vmem>>, %arg2: memref<8x1x1024xi32, #tpu.memory_space<vmem>>, %arg3: memref<8x1x1024xi32, #tpu.memory_space<vmem>>, %arg4: memref<8x1x1024xf32, #tpu.memory_space<vmem>>) attributes {dimension_semantics = [#tpu.dimension_semantics<arbitrary>], iteration_bounds = array<i64: 8>, scalar_prefetch = 0 : i64, scratch_operands = 0 : i64, tpu.core_type = #tpu.core_type<tc>, window_params = [{transform_indices = @transform_0, window_bounds = array<i64: 8, 1024, 1>}, {transform_indices = @transform_1, window_bounds = array<i64: 8, 1, 1024>}, {transform_indices = @transform_2, window_bounds = array<i64: 8, 1, 1024>}, {transform_indices = @transform_3, window_bounds = array<i64: 8, 1, 1024>}]} {
    %broadcast_in_dim3A = arith.constant 1.000000e+00 : f32
    %broadcast_in_dim3A_0 = vector.broadcast %broadcast_in_dim3A : f32 to vector<1x1024xf32>
    %get3A = arith.constant 0 : index
    %get3A_1 = arith.constant 0 : index
    %get3A_2 = arith.constant 0 : index
    %get3A_3 = vector.load %arg1[%get3A, %get3A_1, %get3A_2] : memref<8x1024x1xi32, #tpu.memory_space<vmem>>, vector<1x1024x1xi32>
    %get3A_4 = vector.shape_cast %get3A_3 : vector<1x1024x1xi32> to vector<1024x1xi32>
    %get3A_5 = arith.constant 0 : index
    %get3A_6 = arith.constant 0 : index
    %get3A_7 = arith.constant 0 : index
    %get3A_8 = vector.load %arg2[%get3A_5, %get3A_6, %get3A_7] : memref<8x1x1024xi32, #tpu.memory_space<vmem>>, vector<1x1x1024xi32>
    %get3A_9 = vector.shape_cast %get3A_8 : vector<1x1x1024xi32> to vector<1x1024xi32>
    %lt3A = vector.broadcast %get3A_4 : vector<1024x1xi32> to vector<1024x1024xi32>
    %lt3A_10 = vector.broadcast %get3A_9 : vector<1x1024xi32> to vector<1024x1024xi32>
    %lt3A_11 = arith.cmpi slt, %lt3A, %lt3A_10 : vector<1024x1024xi32>
    %convert_element_type3A = arith.extui %lt3A_11 : vector<1024x1024xi1> to vector<1024x1024xi32>
    %convert_element_type3A_12 = arith.sitofp %convert_element_type3A : vector<1024x1024xi32> to vector<1024x1024xf32>
    %dot_general3A = arith.constant dense<0.000000e+00> : vector<1x1024xf32>
    %dot_general3A_13 = tpu.matmul %broadcast_in_dim3A_0, %convert_element_type3A_12, %dot_general3A {dimension_numbers = #tpu.dot_dimension_numbers<[1], [0], [0], [1], [0, 0, 1, 1], [], []>, transpose_lhs_hint = false} : vector<1x1024xf32>, vector<1024x1024xf32>, vector<1x1024xf32> -> vector<1x1024xf32>
    %convert_element_type3A_14 = arith.fptosi %dot_general3A_13 : vector<1x1024xf32> to vector<1x1024xi32>
    %swap3A = arith.constant 0 : index
    %swap3A_15 = arith.constant 0 : index
    %swap3A_16 = arith.constant 0 : index
    %swap3A_17 = vector.load %arg3[%swap3A, %swap3A_15, %swap3A_16] : memref<8x1x1024xi32, #tpu.memory_space<vmem>>, vector<1x1x1024xi32>
    %swap3A_18 = vector.shape_cast %swap3A_17 : vector<1x1x1024xi32> to vector<1x1024xi32>
    %swap3A_19 = vector.shape_cast %convert_element_type3A_14 : vector<1x1024xi32> to vector<1x1x1024xi32>
    tpu.vector_store %arg3[%swap3A, %swap3A_15, %swap3A_16], %swap3A_19 {strides = array<i32>} : memref<8x1x1024xi32, #tpu.memory_space<vmem>>, vector<1x1x1024xi32>,
    %ge3A = arith.constant 2.560000e+02 : f32
    %ge3A_20 = vector.broadcast %ge3A : f32 to vector<1x1024xf32>
    %ge3A_21 = arith.cmpf oge, %dot_general3A_13, %ge3A_20 : vector<1x1024xf32>
    %convert_element_type3A_22 = arith.extui %ge3A_21 : vector<1x1024xi1> to vector<1x1024xi32>
    %convert_element_type3A_23 = arith.sitofp %convert_element_type3A_22 : vector<1x1024xi32> to vector<1x1024xf32>
    %swap3A_24 = arith.constant 0 : index
    %swap3A_25 = arith.constant 0 : index
    %swap3A_26 = arith.constant 0 : index
    %swap3A_27 = vector.load %arg4[%swap3A_24, %swap3A_25, %swap3A_26] : memref<8x1x1024xf32, #tpu.memory_space<vmem>>, vector<1x1x1024xf32>
    %swap3A_28 = vector.shape_cast %swap3A_27 : vector<1x1x1024xf32> to vector<1x1024xf32>
    %swap3A_29 = vector.shape_cast %convert_element_type3A_23 : vector<1x1024xf32> to vector<1x1x1024xf32>
    tpu.vector_store %arg4[%swap3A_24, %swap3A_25, %swap3A_26], %swap3A_29 {strides = array<i32>} : memref<8x1x1024xf32, #tpu.memory_space<vmem>>, vector<1x1x1024xf32>,
    %get3A_30 = arith.constant 1 : index
    %get3A_31 = arith.constant 0 : index
    %get3A_32 = arith.constant 0 : index
    %get3A_33 = vector.load %arg1[%get3A_30, %get3A_31, %get3A_32] : memref<8x1024x1xi32, #tpu.memory_space<vmem>>, vector<1x1024x1xi32>
    %get3A_34 = vector.shape_cast %get3A_33 : vector<1x1024x1xi32> to vector<1024x1xi32>
    %get3A_35 = arith.constant 1 : index
    %get3A_36 = arith.constant 0 : index
    %get3A_37 = arith.constant 0 : index
    %get3A_38 = vector.load %arg2[%get3A_35, %get3A_36, %get3A_37] : memref<8x1x1024xi32, #tpu.memory_space<vmem>>, vector<1x1x1024xi32>
    %get3A_39 = vector.shape_cast %get3A_38 : vector<1x1x1024xi32> to vector<1x1024xi32>
    %lt3A_40 = vector.broadcast %get3A_34 : vector<1024x1xi32> to vector<1024x1024xi32>
    %lt3A_41 = vector.broadcast %get3A_39 : vector<1x1024xi32> to vector<1024x1024xi32>
    %lt3A_42 = arith.cmpi slt, %lt3A_40, %lt3A_41 : vector<1024x1024xi32>
    %convert_element_type3A_43 = arith.extui %lt3A_42 : vector<1024x1024xi1> to vector<1024x1024xi32>
    %convert_element_type3A_44 = arith.sitofp %convert_element_type3A_43 : vector<1024x1024xi32> to vector<1024x1024xf32>
    %dot_general3A_45 = arith.constant dense<0.000000e+00> : vector<1x1024xf32>
    %dot_general3A_46 = tpu.matmul %broadcast_in_dim3A_0, %convert_element_type3A_44, %dot_general3A_45 {dimension_numbers = #tpu.dot_dimension_numbers<[1], [0], [0], [1], [0, 0, 1, 1], [], []>, transpose_lhs_hint = false} : vector<1x1024xf32>, vector<1024x1024xf32>, vector<1x1024xf32> -> vector<1x1024xf32>
    %convert_element_type3A_47 = arith.fptosi %dot_general3A_46 : vector<1x1024xf32> to vector<1x1024xi32>
    %swap3A_48 = arith.constant 1 : index
    %swap3A_49 = arith.constant 0 : index
    %swap3A_50 = arith.constant 0 : index
    %swap3A_51 = vector.load %arg3[%swap3A_48, %swap3A_49, %swap3A_50] : memref<8x1x1024xi32, #tpu.memory_space<vmem>>, vector<1x1x1024xi32>
    %swap3A_52 = vector.shape_cast %swap3A_51 : vector<1x1x1024xi32> to vector<1x1024xi32>
    %swap3A_53 = vector.shape_cast %convert_element_type3A_47 : vector<1x1024xi32> to vector<1x1x1024xi32>
    tpu.vector_store %arg3[%swap3A_48, %swap3A_49, %swap3A_50], %swap3A_53 {strides = array<i32>} : memref<8x1x1024xi32, #tpu.memory_space<vmem>>, vector<1x1x1024xi32>,
    %ge3A_54 = arith.constant 2.560000e+02 : f32
    %ge3A_55 = vector.broadcast %ge3A_54 : f32 to vector<1x1024xf32>
    %ge3A_56 = arith.cmpf oge, %dot_general3A_46, %ge3A_55 : vector<1x1024xf32>
    %convert_element_type3A_57 = arith.extui %ge3A_56 : vector<1x1024xi1> to vector<1x1024xi32>
    %convert_element_type3A_58 = arith.sitofp %convert_element_type3A_57 : vector<1x1024xi32> to vector<1x1024xf32>
    %swap3A_59 = arith.constant 1 : index
    %swap3A_60 = arith.constant 0 : index
    %swap3A_61 = arith.constant 0 : index
    %swap3A_62 = vector.load %arg4[%swap3A_59, %swap3A_60, %swap3A_61] : memref<8x1x1024xf32, #tpu.memory_space<vmem>>, vector<1x1x1024xf32>
    %swap3A_63 = vector.shape_cast %swap3A_62 : vector<1x1x1024xf32> to vector<1x1024xf32>
    %swap3A_64 = vector.shape_cast %convert_element_type3A_58 : vector<1x1024xf32> to vector<1x1x1024xf32>
    tpu.vector_store %arg4[%swap3A_59, %swap3A_60, %swap3A_61], %swap3A_64 {strides = array<i32>} : memref<8x1x1024xf32, #tpu.memory_space<vmem>>, vector<1x1x1024xf32>,
    %get3A_65 = arith.constant 2 : index
    %get3A_66 = arith.constant 0 : index
    %get3A_67 = arith.constant 0 : index
    %get3A_68 = vector.load %arg1[%get3A_65, %get3A_66, %get3A_67] : memref<8x1024x1xi32, #tpu.memory_space<vmem>>, vector<1x1024x1xi32>
    %get3A_69 = vector.shape_cast %get3A_68 : vector<1x1024x1xi32> to vector<1024x1xi32>
    %get3A_70 = arith.constant 2 : index
    %get3A_71 = arith.constant 0 : index
    %get3A_72 = arith.constant 0 : index
    %get3A_73 = vector.load %arg2[%get3A_70, %get3A_71, %get3A_72] : memref<8x1x1024xi32, #tpu.memory_space<vmem>>, vector<1x1x1024xi32>
    %get3A_74 = vector.shape_cast %get3A_73 : vector<1x1x1024xi32> to vector<1x1024xi32>
    %lt3A_75 = vector.broadcast %get3A_69 : vector<1024x1xi32> to vector<1024x1024xi32>
    %lt3A_76 = vector.broadcast %get3A_74 : vector<1x1024xi32> to vector<1024x1024xi32>
    %lt3A_77 = arith.cmpi slt, %lt3A_75, %lt3A_76 : vector<1024x1024xi32>
    %convert_element_type3A_78 = arith.extui %lt3A_77 : vector<1024x1024xi1> to vector<1024x1024xi32>
    %convert_element_type3A_79 = arith.sitofp %convert_element_type3A_78 : vector<1024x1024xi32> to vector<1024x1024xf32>
    %dot_general3A_80 = arith.constant dense<0.000000e+00> : vector<1x1024xf32>
    %dot_general3A_81 = tpu.matmul %broadcast_in_dim3A_0, %convert_element_type3A_79, %dot_general3A_80 {dimension_numbers = #tpu.dot_dimension_numbers<[1], [0], [0], [1], [0, 0, 1, 1], [], []>, transpose_lhs_hint = false} : vector<1x1024xf32>, vector<1024x1024xf32>, vector<1x1024xf32> -> vector<1x1024xf32>
    %convert_element_type3A_82 = arith.fptosi %dot_general3A_81 : vector<1x1024xf32> to vector<1x1024xi32>
    %swap3A_83 = arith.constant 2 : index
    %swap3A_84 = arith.constant 0 : index
    %swap3A_85 = arith.constant 0 : index
    %swap3A_86 = vector.load %arg3[%swap3A_83, %swap3A_84, %swap3A_85] : memref<8x1x1024xi32, #tpu.memory_space<vmem>>, vector<1x1x1024xi32>
    %swap3A_87 = vector.shape_cast %swap3A_86 : vector<1x1x1024xi32> to vector<1x1024xi32>
    %swap3A_88 = vector.shape_cast %convert_element_type3A_82 : vector<1x1024xi32> to vector<1x1x1024xi32>
    tpu.vector_store %arg3[%swap3A_83, %swap3A_84, %swap3A_85], %swap3A_88 {strides = array<i32>} : memref<8x1x1024xi32, #tpu.memory_space<vmem>>, vector<1x1x1024xi32>,
    %ge3A_89 = arith.constant 2.560000e+02 : f32
    %ge3A_90 = vector.broadcast %ge3A_89 : f32 to vector<1x1024xf32>
    %ge3A_91 = arith.cmpf oge, %dot_general3A_81, %ge3A_90 : vector<1x1024xf32>
    %convert_element_type3A_92 = arith.extui %ge3A_91 : vector<1x1024xi1> to vector<1x1024xi32>
    %convert_element_type3A_93 = arith.sitofp %convert_element_type3A_92 : vector<1x1024xi32> to vector<1x1024xf32>
    %swap3A_94 = arith.constant 2 : index
    %swap3A_95 = arith.constant 0 : index
    %swap3A_96 = arith.constant 0 : index
    %swap3A_97 = vector.load %arg4[%swap3A_94, %swap3A_95, %swap3A_96] : memref<8x1x1024xf32, #tpu.memory_space<vmem>>, vector<1x1x1024xf32>
    %swap3A_98 = vector.shape_cast %swap3A_97 : vector<1x1x1024xf32> to vector<1x1024xf32>
    %swap3A_99 = vector.shape_cast %convert_element_type3A_93 : vector<1x1024xf32> to vector<1x1x1024xf32>
    tpu.vector_store %arg4[%swap3A_94, %swap3A_95, %swap3A_96], %swap3A_99 {strides = array<i32>} : memref<8x1x1024xf32, #tpu.memory_space<vmem>>, vector<1x1x1024xf32>,
    %get3A_100 = arith.constant 3 : index
    %get3A_101 = arith.constant 0 : index
    %get3A_102 = arith.constant 0 : index
    %get3A_103 = vector.load %arg1[%get3A_100, %get3A_101, %get3A_102] : memref<8x1024x1xi32, #tpu.memory_space<vmem>>, vector<1x1024x1xi32>
    %get3A_104 = vector.shape_cast %get3A_103 : vector<1x1024x1xi32> to vector<1024x1xi32>
    %get3A_105 = arith.constant 3 : index
    %get3A_106 = arith.constant 0 : index
    %get3A_107 = arith.constant 0 : index
    %get3A_108 = vector.load %arg2[%get3A_105, %get3A_106, %get3A_107] : memref<8x1x1024xi32, #tpu.memory_space<vmem>>, vector<1x1x1024xi32>
    %get3A_109 = vector.shape_cast %get3A_108 : vector<1x1x1024xi32> to vector<1x1024xi32>
    %lt3A_110 = vector.broadcast %get3A_104 : vector<1024x1xi32> to vector<1024x1024xi32>
    %lt3A_111 = vector.broadcast %get3A_109 : vector<1x1024xi32> to vector<1024x1024xi32>
    %lt3A_112 = arith.cmpi slt, %lt3A_110, %lt3A_111 : vector<1024x1024xi32>
    %convert_element_type3A_113 = arith.extui %lt3A_112 : vector<1024x1024xi1> to vector<1024x1024xi32>
    %convert_element_type3A_114 = arith.sitofp %convert_element_type3A_113 : vector<1024x1024xi32> to vector<1024x1024xf32>
    %dot_general3A_115 = arith.constant dense<0.000000e+00> : vector<1x1024xf32>
    %dot_general3A_116 = tpu.matmul %broadcast_in_dim3A_0, %convert_element_type3A_114, %dot_general3A_115 {dimension_numbers = #tpu.dot_dimension_numbers<[1], [0], [0], [1], [0, 0, 1, 1], [], []>, transpose_lhs_hint = false} : vector<1x1024xf32>, vector<1024x1024xf32>, vector<1x1024xf32> -> vector<1x1024xf32>
    %convert_element_type3A_117 = arith.fptosi %dot_general3A_116 : vector<1x1024xf32> to vector<1x1024xi32>
    %swap3A_118 = arith.constant 3 : index
    %swap3A_119 = arith.constant 0 : index
    %swap3A_120 = arith.constant 0 : index
    %swap3A_121 = vector.load %arg3[%swap3A_118, %swap3A_119, %swap3A_120] : memref<8x1x1024xi32, #tpu.memory_space<vmem>>, vector<1x1x1024xi32>
    %swap3A_122 = vector.shape_cast %swap3A_121 : vector<1x1x1024xi32> to vector<1x1024xi32>
    %swap3A_123 = vector.shape_cast %convert_element_type3A_117 : vector<1x1024xi32> to vector<1x1x1024xi32>
    tpu.vector_store %arg3[%swap3A_118, %swap3A_119, %swap3A_120], %swap3A_123 {strides = array<i32>} : memref<8x1x1024xi32, #tpu.memory_space<vmem>>, vector<1x1x1024xi32>,
    %ge3A_124 = arith.constant 2.560000e+02 : f32
    %ge3A_125 = vector.broadcast %ge3A_124 : f32 to vector<1x1024xf32>
    %ge3A_126 = arith.cmpf oge, %dot_general3A_116, %ge3A_125 : vector<1x1024xf32>
    %convert_element_type3A_127 = arith.extui %ge3A_126 : vector<1x1024xi1> to vector<1x1024xi32>
    %convert_element_type3A_128 = arith.sitofp %convert_element_type3A_127 : vector<1x1024xi32> to vector<1x1024xf32>
    %swap3A_129 = arith.constant 3 : index
    %swap3A_130 = arith.constant 0 : index
    %swap3A_131 = arith.constant 0 : index
    %swap3A_132 = vector.load %arg4[%swap3A_129, %swap3A_130, %swap3A_131] : memref<8x1x1024xf32, #tpu.memory_space<vmem>>, vector<1x1x1024xf32>
    %swap3A_133 = vector.shape_cast %swap3A_132 : vector<1x1x1024xf32> to vector<1x1024xf32>
    %swap3A_134 = vector.shape_cast %convert_element_type3A_128 : vector<1x1024xf32> to vector<1x1x1024xf32>
    tpu.vector_store %arg4[%swap3A_129, %swap3A_130, %swap3A_131], %swap3A_134 {strides = array<i32>} : memref<8x1x1024xf32, #tpu.memory_space<vmem>>, vector<1x1x1024xf32>,
    %get3A_135 = arith.constant 4 : index
    %get3A_136 = arith.constant 0 : index
    %get3A_137 = arith.constant 0 : index
    %get3A_138 = vector.load %arg1[%get3A_135, %get3A_136, %get3A_137] : memref<8x1024x1xi32, #tpu.memory_space<vmem>>, vector<1x1024x1xi32>
    %get3A_139 = vector.shape_cast %get3A_138 : vector<1x1024x1xi32> to vector<1024x1xi32>
    %get3A_140 = arith.constant 4 : index
    %get3A_141 = arith.constant 0 : index
    %get3A_142 = arith.constant 0 : index
    %get3A_143 = vector.load %arg2[%get3A_140, %get3A_141, %get3A_142] : memref<8x1x1024xi32, #tpu.memory_space<vmem>>, vector<1x1x1024xi32>
    %get3A_144 = vector.shape_cast %get3A_143 : vector<1x1x1024xi32> to vector<1x1024xi32>
    %lt3A_145 = vector.broadcast %get3A_139 : vector<1024x1xi32> to vector<1024x1024xi32>
    %lt3A_146 = vector.broadcast %get3A_144 : vector<1x1024xi32> to vector<1024x1024xi32>
    %lt3A_147 = arith.cmpi slt, %lt3A_145, %lt3A_146 : vector<1024x1024xi32>
    %convert_element_type3A_148 = arith.extui %lt3A_147 : vector<1024x1024xi1> to vector<1024x1024xi32>
    %convert_element_type3A_149 = arith.sitofp %convert_element_type3A_148 : vector<1024x1024xi32> to vector<1024x1024xf32>
    %dot_general3A_150 = arith.constant dense<0.000000e+00> : vector<1x1024xf32>
    %dot_general3A_151 = tpu.matmul %broadcast_in_dim3A_0, %convert_element_type3A_149, %dot_general3A_150 {dimension_numbers = #tpu.dot_dimension_numbers<[1], [0], [0], [1], [0, 0, 1, 1], [], []>, transpose_lhs_hint = false} : vector<1x1024xf32>, vector<1024x1024xf32>, vector<1x1024xf32> -> vector<1x1024xf32>
    %convert_element_type3A_152 = arith.fptosi %dot_general3A_151 : vector<1x1024xf32> to vector<1x1024xi32>
    %swap3A_153 = arith.constant 4 : index
    %swap3A_154 = arith.constant 0 : index
    %swap3A_155 = arith.constant 0 : index
    %swap3A_156 = vector.load %arg3[%swap3A_153, %swap3A_154, %swap3A_155] : memref<8x1x1024xi32, #tpu.memory_space<vmem>>, vector<1x1x1024xi32>
    %swap3A_157 = vector.shape_cast %swap3A_156 : vector<1x1x1024xi32> to vector<1x1024xi32>
    %swap3A_158 = vector.shape_cast %convert_element_type3A_152 : vector<1x1024xi32> to vector<1x1x1024xi32>
    tpu.vector_store %arg3[%swap3A_153, %swap3A_154, %swap3A_155], %swap3A_158 {strides = array<i32>} : memref<8x1x1024xi32, #tpu.memory_space<vmem>>, vector<1x1x1024xi32>,
    %ge3A_159 = arith.constant 2.560000e+02 : f32
    %ge3A_160 = vector.broadcast %ge3A_159 : f32 to vector<1x1024xf32>
    %ge3A_161 = arith.cmpf oge, %dot_general3A_151, %ge3A_160 : vector<1x1024xf32>
    %convert_element_type3A_162 = arith.extui %ge3A_161 : vector<1x1024xi1> to vector<1x1024xi32>
    %convert_element_type3A_163 = arith.sitofp %convert_element_type3A_162 : vector<1x1024xi32> to vector<1x1024xf32>
    %swap3A_164 = arith.constant 4 : index
    %swap3A_165 = arith.constant 0 : index
    %swap3A_166 = arith.constant 0 : index
    %swap3A_167 = vector.load %arg4[%swap3A_164, %swap3A_165, %swap3A_166] : memref<8x1x1024xf32, #tpu.memory_space<vmem>>, vector<1x1x1024xf32>
    %swap3A_168 = vector.shape_cast %swap3A_167 : vector<1x1x1024xf32> to vector<1x1024xf32>
    %swap3A_169 = vector.shape_cast %convert_element_type3A_163 : vector<1x1024xf32> to vector<1x1x1024xf32>
    tpu.vector_store %arg4[%swap3A_164, %swap3A_165, %swap3A_166], %swap3A_169 {strides = array<i32>} : memref<8x1x1024xf32, #tpu.memory_space<vmem>>, vector<1x1x1024xf32>,
    %get3A_170 = arith.constant 5 : index
    %get3A_171 = arith.constant 0 : index
    %get3A_172 = arith.constant 0 : index
    %get3A_173 = vector.load %arg1[%get3A_170, %get3A_171, %get3A_172] : memref<8x1024x1xi32, #tpu.memory_space<vmem>>, vector<1x1024x1xi32>
    %get3A_174 = vector.shape_cast %get3A_173 : vector<1x1024x1xi32> to vector<1024x1xi32>
    %get3A_175 = arith.constant 5 : index
    %get3A_176 = arith.constant 0 : index
    %get3A_177 = arith.constant 0 : index
    %get3A_178 = vector.load %arg2[%get3A_175, %get3A_176, %get3A_177] : memref<8x1x1024xi32, #tpu.memory_space<vmem>>, vector<1x1x1024xi32>
    %get3A_179 = vector.shape_cast %get3A_178 : vector<1x1x1024xi32> to vector<1x1024xi32>
    %lt3A_180 = vector.broadcast %get3A_174 : vector<1024x1xi32> to vector<1024x1024xi32>
    %lt3A_181 = vector.broadcast %get3A_179 : vector<1x1024xi32> to vector<1024x1024xi32>
    %lt3A_182 = arith.cmpi slt, %lt3A_180, %lt3A_181 : vector<1024x1024xi32>
    %convert_element_type3A_183 = arith.extui %lt3A_182 : vector<1024x1024xi1> to vector<1024x1024xi32>
    %convert_element_type3A_184 = arith.sitofp %convert_element_type3A_183 : vector<1024x1024xi32> to vector<1024x1024xf32>
    %dot_general3A_185 = arith.constant dense<0.000000e+00> : vector<1x1024xf32>
    %dot_general3A_186 = tpu.matmul %broadcast_in_dim3A_0, %convert_element_type3A_184, %dot_general3A_185 {dimension_numbers = #tpu.dot_dimension_numbers<[1], [0], [0], [1], [0, 0, 1, 1], [], []>, transpose_lhs_hint = false} : vector<1x1024xf32>, vector<1024x1024xf32>, vector<1x1024xf32> -> vector<1x1024xf32>
    %convert_element_type3A_187 = arith.fptosi %dot_general3A_186 : vector<1x1024xf32> to vector<1x1024xi32>
    %swap3A_188 = arith.constant 5 : index
    %swap3A_189 = arith.constant 0 : index
    %swap3A_190 = arith.constant 0 : index
    %swap3A_191 = vector.load %arg3[%swap3A_188, %swap3A_189, %swap3A_190] : memref<8x1x1024xi32, #tpu.memory_space<vmem>>, vector<1x1x1024xi32>
    %swap3A_192 = vector.shape_cast %swap3A_191 : vector<1x1x1024xi32> to vector<1x1024xi32>
    %swap3A_193 = vector.shape_cast %convert_element_type3A_187 : vector<1x1024xi32> to vector<1x1x1024xi32>
    tpu.vector_store %arg3[%swap3A_188, %swap3A_189, %swap3A_190], %swap3A_193 {strides = array<i32>} : memref<8x1x1024xi32, #tpu.memory_space<vmem>>, vector<1x1x1024xi32>,
    %ge3A_194 = arith.constant 2.560000e+02 : f32
    %ge3A_195 = vector.broadcast %ge3A_194 : f32 to vector<1x1024xf32>
    %ge3A_196 = arith.cmpf oge, %dot_general3A_186, %ge3A_195 : vector<1x1024xf32>
    %convert_element_type3A_197 = arith.extui %ge3A_196 : vector<1x1024xi1> to vector<1x1024xi32>
    %convert_element_type3A_198 = arith.sitofp %convert_element_type3A_197 : vector<1x1024xi32> to vector<1x1024xf32>
    %swap3A_199 = arith.constant 5 : index
    %swap3A_200 = arith.constant 0 : index
    %swap3A_201 = arith.constant 0 : index
    %swap3A_202 = vector.load %arg4[%swap3A_199, %swap3A_200, %swap3A_201] : memref<8x1x1024xf32, #tpu.memory_space<vmem>>, vector<1x1x1024xf32>
    %swap3A_203 = vector.shape_cast %swap3A_202 : vector<1x1x1024xf32> to vector<1x1024xf32>
    %swap3A_204 = vector.shape_cast %convert_element_type3A_198 : vector<1x1024xf32> to vector<1x1x1024xf32>
    tpu.vector_store %arg4[%swap3A_199, %swap3A_200, %swap3A_201], %swap3A_204 {strides = array<i32>} : memref<8x1x1024xf32, #tpu.memory_space<vmem>>, vector<1x1x1024xf32>,
    %get3A_205 = arith.constant 6 : index
    %get3A_206 = arith.constant 0 : index
    %get3A_207 = arith.constant 0 : index
    %get3A_208 = vector.load %arg1[%get3A_205, %get3A_206, %get3A_207] : memref<8x1024x1xi32, #tpu.memory_space<vmem>>, vector<1x1024x1xi32>
    %get3A_209 = vector.shape_cast %get3A_208 : vector<1x1024x1xi32> to vector<1024x1xi32>
    %get3A_210 = arith.constant 6 : index
    %get3A_211 = arith.constant 0 : index
    %get3A_212 = arith.constant 0 : index
    %get3A_213 = vector.load %arg2[%get3A_210, %get3A_211, %get3A_212] : memref<8x1x1024xi32, #tpu.memory_space<vmem>>, vector<1x1x1024xi32>
    %get3A_214 = vector.shape_cast %get3A_213 : vector<1x1x1024xi32> to vector<1x1024xi32>
    %lt3A_215 = vector.broadcast %get3A_209 : vector<1024x1xi32> to vector<1024x1024xi32>
    %lt3A_216 = vector.broadcast %get3A_214 : vector<1x1024xi32> to vector<1024x1024xi32>
    %lt3A_217 = arith.cmpi slt, %lt3A_215, %lt3A_216 : vector<1024x1024xi32>
    %convert_element_type3A_218 = arith.extui %lt3A_217 : vector<1024x1024xi1> to vector<1024x1024xi32>
    %convert_element_type3A_219 = arith.sitofp %convert_element_type3A_218 : vector<1024x1024xi32> to vector<1024x1024xf32>
    %dot_general3A_220 = arith.constant dense<0.000000e+00> : vector<1x1024xf32>
    %dot_general3A_221 = tpu.matmul %broadcast_in_dim3A_0, %convert_element_type3A_219, %dot_general3A_220 {dimension_numbers = #tpu.dot_dimension_numbers<[1], [0], [0], [1], [0, 0, 1, 1], [], []>, transpose_lhs_hint = false} : vector<1x1024xf32>, vector<1024x1024xf32>, vector<1x1024xf32> -> vector<1x1024xf32>
    %convert_element_type3A_222 = arith.fptosi %dot_general3A_221 : vector<1x1024xf32> to vector<1x1024xi32>
    %swap3A_223 = arith.constant 6 : index
    %swap3A_224 = arith.constant 0 : index
    %swap3A_225 = arith.constant 0 : index
    %swap3A_226 = vector.load %arg3[%swap3A_223, %swap3A_224, %swap3A_225] : memref<8x1x1024xi32, #tpu.memory_space<vmem>>, vector<1x1x1024xi32>
    %swap3A_227 = vector.shape_cast %swap3A_226 : vector<1x1x1024xi32> to vector<1x1024xi32>
    %swap3A_228 = vector.shape_cast %convert_element_type3A_222 : vector<1x1024xi32> to vector<1x1x1024xi32>
    tpu.vector_store %arg3[%swap3A_223, %swap3A_224, %swap3A_225], %swap3A_228 {strides = array<i32>} : memref<8x1x1024xi32, #tpu.memory_space<vmem>>, vector<1x1x1024xi32>,
    %ge3A_229 = arith.constant 2.560000e+02 : f32
    %ge3A_230 = vector.broadcast %ge3A_229 : f32 to vector<1x1024xf32>
    %ge3A_231 = arith.cmpf oge, %dot_general3A_221, %ge3A_230 : vector<1x1024xf32>
    %convert_element_type3A_232 = arith.extui %ge3A_231 : vector<1x1024xi1> to vector<1x1024xi32>
    %convert_element_type3A_233 = arith.sitofp %convert_element_type3A_232 : vector<1x1024xi32> to vector<1x1024xf32>
    %swap3A_234 = arith.constant 6 : index
    %swap3A_235 = arith.constant 0 : index
    %swap3A_236 = arith.constant 0 : index
    %swap3A_237 = vector.load %arg4[%swap3A_234, %swap3A_235, %swap3A_236] : memref<8x1x1024xf32, #tpu.memory_space<vmem>>, vector<1x1x1024xf32>
    %swap3A_238 = vector.shape_cast %swap3A_237 : vector<1x1x1024xf32> to vector<1x1024xf32>
    %swap3A_239 = vector.shape_cast %convert_element_type3A_233 : vector<1x1024xf32> to vector<1x1x1024xf32>
    tpu.vector_store %arg4[%swap3A_234, %swap3A_235, %swap3A_236], %swap3A_239 {strides = array<i32>} : memref<8x1x1024xf32, #tpu.memory_space<vmem>>, vector<1x1x1024xf32>,
    %get3A_240 = arith.constant 7 : index
    %get3A_241 = arith.constant 0 : index
    %get3A_242 = arith.constant 0 : index
    %get3A_243 = vector.load %arg1[%get3A_240, %get3A_241, %get3A_242] : memref<8x1024x1xi32, #tpu.memory_space<vmem>>, vector<1x1024x1xi32>
    %get3A_244 = vector.shape_cast %get3A_243 : vector<1x1024x1xi32> to vector<1024x1xi32>
    %get3A_245 = arith.constant 7 : index
    %get3A_246 = arith.constant 0 : index
    %get3A_247 = arith.constant 0 : index
    %get3A_248 = vector.load %arg2[%get3A_245, %get3A_246, %get3A_247] : memref<8x1x1024xi32, #tpu.memory_space<vmem>>, vector<1x1x1024xi32>
    %get3A_249 = vector.shape_cast %get3A_248 : vector<1x1x1024xi32> to vector<1x1024xi32>
    %lt3A_250 = vector.broadcast %get3A_244 : vector<1024x1xi32> to vector<1024x1024xi32>
    %lt3A_251 = vector.broadcast %get3A_249 : vector<1x1024xi32> to vector<1024x1024xi32>
    %lt3A_252 = arith.cmpi slt, %lt3A_250, %lt3A_251 : vector<1024x1024xi32>
    %convert_element_type3A_253 = arith.extui %lt3A_252 : vector<1024x1024xi1> to vector<1024x1024xi32>
    %convert_element_type3A_254 = arith.sitofp %convert_element_type3A_253 : vector<1024x1024xi32> to vector<1024x1024xf32>
    %dot_general3A_255 = arith.constant dense<0.000000e+00> : vector<1x1024xf32>
    %dot_general3A_256 = tpu.matmul %broadcast_in_dim3A_0, %convert_element_type3A_254, %dot_general3A_255 {dimension_numbers = #tpu.dot_dimension_numbers<[1], [0], [0], [1], [0, 0, 1, 1], [], []>, transpose_lhs_hint = false} : vector<1x1024xf32>, vector<1024x1024xf32>, vector<1x1024xf32> -> vector<1x1024xf32>
    %convert_element_type3A_257 = arith.fptosi %dot_general3A_256 : vector<1x1024xf32> to vector<1x1024xi32>
    %swap3A_258 = arith.constant 7 : index
    %swap3A_259 = arith.constant 0 : index
    %swap3A_260 = arith.constant 0 : index
    %swap3A_261 = vector.load %arg3[%swap3A_258, %swap3A_259, %swap3A_260] : memref<8x1x1024xi32, #tpu.memory_space<vmem>>, vector<1x1x1024xi32>
    %swap3A_262 = vector.shape_cast %swap3A_261 : vector<1x1x1024xi32> to vector<1x1024xi32>
    %swap3A_263 = vector.shape_cast %convert_element_type3A_257 : vector<1x1024xi32> to vector<1x1x1024xi32>
    tpu.vector_store %arg3[%swap3A_258, %swap3A_259, %swap3A_260], %swap3A_263 {strides = array<i32>} : memref<8x1x1024xi32, #tpu.memory_space<vmem>>, vector<1x1x1024xi32>,
    %ge3A_264 = arith.constant 2.560000e+02 : f32
    %ge3A_265 = vector.broadcast %ge3A_264 : f32 to vector<1x1024xf32>
    %ge3A_266 = arith.cmpf oge, %dot_general3A_256, %ge3A_265 : vector<1x1024xf32>
    %convert_element_type3A_267 = arith.extui %ge3A_266 : vector<1x1024xi1> to vector<1x1024xi32>
    %convert_element_type3A_268 = arith.sitofp %convert_element_type3A_267 : vector<1x1024xi32> to vector<1x1024xf32>
    %swap3A_269 = arith.constant 7 : index
    %swap3A_270 = arith.constant 0 : index
    %swap3A_271 = arith.constant 0 : index
    %swap3A_272 = vector.load %arg4[%swap3A_269, %swap3A_270, %swap3A_271] : memref<8x1x1024xf32, #tpu.memory_space<vmem>>, vector<1x1x1024xf32>
    %swap3A_273 = vector.shape_cast %swap3A_272 : vector<1x1x1024xf32> to vector<1x1024xf32>
    %swap3A_274 = vector.shape_cast %convert_element_type3A_268 : vector<1x1024xf32> to vector<1x1x1024xf32>
    tpu.vector_store %arg4[%swap3A_269, %swap3A_270, %swap3A_271], %swap3A_274 {strides = array<i32>} : memref<8x1x1024xf32, #tpu.memory_space<vmem>>, vector<1x1x1024xf32>,
    return
  }
  func.func @transform_0(%arg0: i32) -> (i32, i32, i32) {
    %c0_i32 = arith.constant 0 : i32
    %c0_i32_0 = arith.constant 0 : i32
    %c0_i32_1 = arith.constant 0 : i32
    return %arg0, %c0_i32, %c0_i32_0 : i32, i32, i32
  }
  func.func @transform_1(%arg0: i32) -> (i32, i32, i32) {
    %c0_i32 = arith.constant 0 : i32
    %c0_i32_0 = arith.constant 0 : i32
    %c0_i32_1 = arith.constant 0 : i32
    return %arg0, %c0_i32, %c0_i32_0 : i32, i32, i32
  }
  func.func @transform_2(%arg0: i32) -> (i32, i32, i32) {
    %c0_i32 = arith.constant 0 : i32
    %c0_i32_0 = arith.constant 0 : i32
    %c0_i32_1 = arith.constant 0 : i32
    return %arg0, %c0_i32, %c0_i32_0 : i32, i32, i32
  }
  func.func @transform_3(%arg0: i32) -> (i32, i32, i32) {
    %c0_i32 = arith.constant 0 : i32
    %c0_i32_0 = arith.constant 0 : i32
    %c0_i32_1 = arith.constant 0 : i32
    return %arg0, %c0_i32, %c0_i32_0 : i32, i32, i32
  }
}

</mosaic_0001>

<sc_bundles>
// kernel: kernel.4.cloned.1.call-start
scs
__scs_entry_jumppad:
0x0: {  	(pc) =	sbr.rel $0x88, $3  }
0x1: {  	(tag) =	ssettag $0x0;
	lr =	simm.s32 $0x1  }
0x2: {  	[smem:$0x3FA0] =	sst lr;
	_ =	strace $0xD0000000  }
0x3: {  	_ = 	snop  }
0x4: {  	_ = 	snop  }
0x5: {  	_ = 	snop  }
0x6: {  	_ = 	snop  }
0x7: {  	_ = 	snop  }
__scs_overlays_trampoline_lowered:
0x8: {  	[smem:$0x3FAF] =	sst s0  }
0x9: {  	[smem:$0x3FB0] =	sst s1  }
0xa: {  	[smem:$0x3FB1] =	sst s2  }
0xb: {  	[smem:$0x3FB2] =	sst s3  }
0xc: {  	[smem:$0x3FB3] =	sst s4  }
0xd: {  	[smem:$0x3FB4] =	sst s5  }
0xe: {  	[smem:$0x3FB5] =	sst s6  }
0xf: {  	[smem:$0x3FB6] =	sst s7  }
0x10: {  	[smem:$0x3FB7] =	sst s8  }
0x11: {  	[smem:$0x3FB8] =	sst s9;
	s0 =	simm.s32 @!p0 $0x0  }
0x12: {  	s1 =	sld [smem:$0x3F9E];
	s0 =	simm.s32 @p0 $0x1  }
0x13: {  	[smem:$0x3FB9] =	sst s0;
	s0 =	simm.s32 @!p1 $0x0  }
0x14: {  	s2 =	sld [smem:$0x3F9D];
	s0 =	simm.s32 @p1 $0x1  }
0x15: {  	[smem:$0x3FBA] =	sst s0;
	s0 =	simm.s32 @!p2 $0x0  }
0x16: {  	s3 =	sld [smem:$0x3FDB];
	s0 =	simm.s32 @p2 $0x1  }
0x17: {  	s4 =	simm.s32 $0x1BF5;
	[smem:$0x3FBC] =	sst s0  }
0x18: {  	s0 =	sld [smem:$0x3F9F];
	_ =	swait.ge [sflag:s4], $0x0  }
0x19: {  	s7 =	sld [smem:$0x3FA0]  }
0x1a: {  	s8 =	sadd.s32 $0xFFFFE003, lr  }
0x1b: {  	s9 =	sadd.s32 $0xFFFFFEF7, lr;
	s5 =	simm.s32 $0xFFFFFFFF;
	p2 =	slt.u32 s8, $0xFFFFF086  }
0x1c: {  	p1 =	slt.u32 s9, $0xF7A;
	s5 =	simm.s32 @!p2 $0x0  }
0x1d: {  	s5 =	simm.s32 @p1 $0x1;
	p0 =	seq.s32 s7, s2  }
0x1e: {  	s7 =	smul.u32 @!p0 $0xF7A, s2;
	p2 =	seq.s32 @!p0 s5, $0x0  }
0x1f: {  	s9 =	smul.u32 $0xF7A, s1;
	s8 =	simm.s32 @!p0 $0x1BF5;
	p2 =	por !p2, p0  }
0x20: {  	[sflag:s8] =	ssyncset.s32 @!p0 $0xFFFFF086;
	s6 =	sadd.s32 @!p0 s3, s7;
	s7 =	simm.s32 @!p0 $0x108  }
0x21: {  	s3 =	sadd.s32 s3, s9;
	s6 =	sadd.s32 @!p0 $0x88, s6;
	s7 =	simm.s32 @p2 $0x1082  }
0x22: {  	[simem:s7], [sflag:s8] =	dma.local @!p0 [hbm:s6], $0xF7A  }
0x23: {  	s9 =	sor.u32 $0xD0000000, s2;
	s6 =	simm.s32 $0x108;
	_ =	swait.ge @!p0 [sflag:s8], $0x0  }
0x24: {  	s3 =	sadd.s32 $0x88, s3;
	s6 =	simm.s32 @!p1 $0x1082;
	[sflag:s4] =	ssyncset.s32 $0xFFFFF086  }
0x25: {  	[simem:s6], [sflag:s4] =	dma.local [hbm:s3], $0xF7A  }
0x26: {  	[smem:$0x3FA0] =	sst s1;
	(tag) =	ssettag s2;
	_ =	strace s9  }
0x27: {  	s1 =	sld [smem:$0x3FB0]  }
0x28: {  	s2 =	sld [smem:$0x3FB1]  }
0x29: {  	s4 =	sld [smem:$0x3FB3]  }
0x2a: {  	p0 =	seq.s32 s5, $0x0;
	s5 =	sld [smem:$0x3FB4]  }
0x2b: {  	s6 =	sld [smem:$0x3FB5]  }
0x2c: {  	s7 =	sld [smem:$0x3FB6]  }
0x2d: {  	s3 =	simm.s32 $0x108;
	s8 =	sld [smem:$0x3FB7]  }
0x2e: {  	s3 =	simm.s32 @!p0 $0x1082;
	s9 =	sld [smem:$0x3FB8]  }
0x2f: {  	lr =	sadd.s32 s0, s3;
	s0 =	sld [smem:$0x3FAF]  }
0x30: {  	s3 =	sld [smem:$0x3FB2]  }
0x31: {  	[smem:$0x3FBB] =	sst s10  }
0x32: {  	s10 =	sld [smem:$0x3FB9];
	_ =	sdelay $0x3  }
0x33: {  	p0 =	seq.s32 s10, $0x1;
	s10 =	sld [smem:$0x3FBB];
	_ =	sdelay $0x3  }
0x34: {  	[smem:$0x3FBB] =	sst s10  }
0x35: {  	s10 =	sld [smem:$0x3FBA];
	_ =	sdelay $0x3  }
0x36: {  	p1 =	seq.s32 s10, $0x1;
	s10 =	sld [smem:$0x3FBB];
	_ =	sdelay $0x3  }
0x37: {  	[smem:$0x3FBB] =	sst s10  }
0x38: {  	s10 =	sld [smem:$0x3FBC]  }
0x39: {  	_ = 	snop;
	(pc) =	sbr.ind lr, $3  }
0x3a: {  	_ = 	snop  }
0x3b: {  	_ = 	snop  }
0x3c: {  	p2 =	seq.s32 s10, $0x1;
	s10 =	sld [smem:$0x3FBB]  }
0x3d: {  	_ =	shalt  }
0x3e: {  	_ =	shalt  }
0x3f: {  	_ =	shalt  }
0x40: {  	_ =	shalt  }
0x41: {  	_ =	shalt  }
0x42: {  	_ =	shalt  }
0x43: {  	_ =	shalt  }
0x44: {  	_ =	shalt  }
0x45: {  	_ =	shalt  }
0x46: {  	_ =	shalt  }
0x47: {  	_ =	shalt  }
0x48: {  	_ =	shalt  }
0x49: {  	_ =	shalt  }
0x4a: {  	_ =	shalt  }
0x4b: {  	_ =	shalt  }
0x4c: {  	_ =	shalt  }
0x4d: {  	_ =	shalt  }
0x4e: {  	_ =	shalt  }
0x4f: {  	_ =	shalt  }
0x50: {  	_ =	shalt  }
0x51: {  	_ =	shalt  }
0x52: {  	_ =	shalt  }
0x53: {  	_ =	shalt  }
0x54: {  	_ =	shalt  }
0x55: {  	_ =	shalt  }
0x56: {  	_ =	shalt  }
0x57: {  	_ =	shalt  }
0x58: {  	_ =	shalt  }
0x59: {  	_ =	shalt  }
0x5a: {  	_ =	shalt  }
0x5b: {  	_ =	shalt  }
0x5c: {  	_ =	shalt  }
0x5d: {  	_ =	shalt  }
0x5e: {  	_ =	shalt  }
0x5f: {  	_ =	shalt  }
0x60: {  	_ =	shalt  }
0x61: {  	_ =	shalt  }
0x62: {  	_ =	shalt  }
0x63: {  	_ =	shalt  }
0x64: {  	_ =	shalt  }
0x65: {  	_ =	shalt  }
0x66: {  	_ =	shalt  }
0x67: {  	_ =	shalt  }
0x68: {  	_ =	shalt  }
0x69: {  	_ =	shalt  }
0x6a: {  	_ =	shalt  }
0x6b: {  	_ =	shalt  }
0x6c: {  	_ =	shalt  }
0x6d: {  	_ =	shalt  }
0x6e: {  	_ =	shalt  }
0x6f: {  	_ =	shalt  }
0x70: {  	_ =	shalt  }
0x71: {  	_ =	shalt  }
0x72: {  	_ =	shalt  }
0x73: {  	_ =	shalt  }
0x74: {  	_ =	shalt  }
0x75: {  	_ =	shalt  }
0x76: {  	_ =	shalt  }
0x77: {  	_ =	shalt  }
0x78: {  	_ =	shalt  }
0x79: {  	_ =	shalt  }
0x7a: {  	_ =	shalt  }
0x7b: {  	_ =	shalt  }
0x7c: {  	_ =	shalt  }
0x7d: {  	_ =	shalt  }
0x7e: {  	_ =	shalt  }
0x7f: {  	_ =	shalt  }
0x80: {  	_ =	shalt  }
0x81: {  	_ =	shalt  }
0x82: {  	_ =	shalt  }
0x83: {  	_ =	shalt  }
0x84: {  	_ =	shalt  }
0x85: {  	_ =	shalt  }
0x86: {  	_ =	shalt  }
0x87: {  	_ =	shalt  }
.Lfunc_end0:
.L_simem_size_0:
called_computation_lowered:
.L_overlay_start_0:
0x88: {  	s2 =	sld [smem:$0x3FD9]  }
0x89: {  	s3 =	sld [smem:$0x3FFE];
	_ =	sdelay $0x1  }
0x8a: {  	s1 =	srdreg.scid  }
0x8b: {  	s0 =	sand.u32 $0x1, s1  }
0x8c: {  	s15 =	sshll.u32 s0, $0xA;
	s2 =	sadd.s32 s3, s2  }
0x8d: {  	s2 =	sadd.s32 s2, s15  }
0x8e: {  	[smem:$0x3FC7] =	sst s2  }
0x8f: {  	_ = 	snop  }
0x90: {  	s2 =	sld [smem:$0x3FD0];
	_ =	sdelay $0x2  }
0x91: {  	s4 =	simm.s32 $0xA;
	s5 =	simm.s32 $0x10;
	s16 =	sld [smem:$0x3FC9]  }
0x92: {  	[smem:s5], [sflag:s4] =	dma.local [hbm:s2], $0x1  }
0x93: {  	_ =	swait.eq [sflag:s4], $0x1  }
0x94: {  	[sflag:s4] =	ssyncset.done $0x0  }
0x95: {  	s17 =	sld [smem:$0x10];
	[sflag:s4] =	ssyncadd.s32 $0xFFFFFFFF  }
0x96: {  	s18 =	sld [smem:$0x12];
	(tm) =	ssettm $0x1  }
0x97: {  	s19 =	sld [smem:$0x3FFB];
	_ =	sdelay $0x3  }
0x98: {  	_ =	strace s19  }
0x99: {  	s5 =	sld [smem:$0x3FFC];
	_ =	sdelay $0x3  }
0x9a: {  	_ =	strace s5  }
0x9b: {  	s5 =	sld [smem:$0x3FFD];
	_ =	sdelay $0x3  }
0x9c: {  	_ =	strace s5  }
0x9d: {  	_ =	strace $0x8FFFFFFF  }
0x9e: {  	s20 =	sld [smem:$0x3FDB];
	_ =	sdelay $0x1  }
0x9f: {  	s6 =	simm.s32 $_scs_section_size  }
0xa0: {  	s7 =	simm.s32 $_size__tile_overlayer_lowered;
	s8 =	simm.s32 $_tile_overlayer_lowered  }
0xa1: {  	s23 =	simm.s32 $0x1BFF;
	s22 =	sshll.u32 s8, $0x1;
	s5 =	sadd.s32 s6, s20  }
0xa2: {  	s9 =	simm.s32 $0x0;
	s21 =	sshll.u32 s7, $0x1;
	s7 =	sadd.s32 s22, s5  }
0xa3: {  	[timem:s9], [sflag:s23] =	dma.local [hbm:s7], s21  }
0xa4: {  	_ =	swait.ge [sflag:s23], s21  }
0xa5: {  	s6 =	ssub.s32 $0x0, s21;
	[sflag:s23] =	ssyncset.done $0x0  }
0xa6: {  	[sflag:s23] =	ssyncadd.s32 s6;
	_ =	sdelay $0x1  }
0xa7: {  	s24 =	simm.s32 $0x1B8B  }
0xa8: {  	_ =	swait.ge [sflag:s24], $0x1  }
0xa9: {  	[sflag:s24] =	ssyncset.done $0x0  }
0xaa: {  	s25 =	simm.s32 $0x1B8E;
	[sflag:s24] =	ssyncadd.s32 $0xFFFFFFFF  }
0xab: {  	s26 =	simm.s32 $execute0_lowered;
	[smem:$0x3FD2] =	sst s25  }
0xac: {  	s6 =	sshll.u32 s26, $0x1;
	_ =	strace $0x80000046;
	[dreg:$0x1] =	wrdreg $0xFFFFFFFF  }
0xad: {  	s28 =	simm.s32 $_size_execute0_lowered;
	s5 =	sadd.s32 s5, s6;
	[dreg:$0x0] =	wrdreg $0x0  }
0xae: {  	s6 =	sshll.u32 s28, $0x1;
	[dreg:$0x2] =	wrdreg s5  }
0xaf: {  	[dreg:$0x3] =	wrdreg s6  }
0xb0: {  	[dreg:$0x4] =	wrdreg $0xC0  }
0xb1: {  	_ =	task [dreg:s9], $0x5FFFF  }
0xb2: {  	[dreg:$0x1] =	wrdreg $0xFFFFFFFF  }
0xb3: {  	[dreg:$0x0] =	wrdreg $0x60  }
0xb4: {  	[dreg:$0x2] =	wrdreg s16  }
0xb5: {  	[dreg:$0x3] =	wrdreg s18  }
0xb6: {  	[dreg:$0x4] =	wrdreg s17  }
0xb7: {  	[dreg:$0x5] =	wrdreg $0x9  }
0xb8: {  	_ =	task.clear_ibuf [dreg:s9], $0x6FFFF;
	_ =	strace $0x90000046  }
0xb9: {  	s29 =	simm.s32 $0x9;
	_ =	strace $0x80000048  }
0xba: {  	_ =	swait.ge [sflag:s29], $0x1  }
0xbb: {  	[sflag:s29] =	ssyncadd.s32 $0xFFFFFFFF  }
0xbc: {  	_ =	strace $0x90000048  }
0xbd: {  	_ =	sfence  }
0xbe: {  	s30 =	sld [smem:$0x0];
	_ =	sdelay $0x2  }
0xbf: {  	s31 =	sshll.u32 s1, $0xD;
	s1 =	sshrl.u32 s1, $0x2  }
0xc0: {  	s3 =	sand.u32 $0x4000, s31;
	s1 =	sadd.s32 s1, s30  }
0xc1: {  	s0 =	sor.u32 s3, s0;
	s1 =	sshll.u32 s1, $0x11  }
0xc2: {  	s0 =	sor.u32 s1, s0  }
0xc3: {  	s0 =	sadd.s32 $0x8F2B, s0  }
0xc4: {  	[sflag:s0] =	ssyncadd.remote.s32 $0x1  }
0xc5: {  	_ =	sfence.sel $0xFFFF  }
0xc6: {  	[dreg:$0x0] =	wrdreg $0xFFFFFFFF;
	(pc) =	sbr.abs _section_cstart, $3  }
0xc7: {  	[dreg:$0x1] =	wrdreg $0xFFFFFFFF  }
0xc8: {  	_ =	task.clear_ibuf [dreg:s9], $0x2FFFF;
	_ =	strace $0x9FFFFFFF  }
0xc9: {  	(tm) =	ssettm $0x7FFFFFFF  }
tec
execute0_lowered:
.L_overlay_start_1:
0x0: {  	(tag) =	ssettag $0x1  }
0x1: {  	s1 =	rddreg [dreg:$0x0]  }
0x2: {  	s2 =	srdreg.scid;
	s7 =	stileid.u32  }
0x3: {  	s0 =	rddreg [dreg:$0x1];
	s2 =	sand.u32 $0x1, s2;
	s3 =	sshll.u32 s7, $0x1  }
0x4: {  	s4 =	rddreg [dreg:$0x2];
	s7 =	sshll.u32 s7, $0xC;
	s5 =	sor.u32 s2, s3  }
0x5: {  	s3 =	simm.s32 $0x0;
	s8 =	ssub.s32 $0x2, s2;
	s10 =	smul.u32 $0xC000, s5  }
0x6: {  	s6 =	sshll.u32 s5, $0x8;
	[smem:$0x7FF] =	sst s3;
	s9 =	sshrl.u32 s8, $0x1  }
0x7: {  	s12 =	smul.u32 $0x60000, s5;
	s8 =	ssub.s32 s8, s9;
	s13 =	sadd.s32 s4, s10  }
0x8: {  	_ =	strace $0x80000047;
	s28 =	smax.u32 s8, $0x1;
	[dreg:$0x5] =	wrdreg s13  }
0x9: {  	s6 =	sor.u32 s6, s7;
	s10 =	sadd.s32 $0xC00, s13;
	[dreg:$0x15] =	wrdreg s28  }
0xa: {  	s6 =	sand.u32 $0xE300, s6;
	s14 =	sadd.s32 $0x1800, s13;
	[dreg:$0x6] =	wrdreg s10  }
0xb: {  	s6 =	sshrl.u32 s6, $0x3;
	s15 =	sadd.s32 $0x2400, s13;
	[dreg:$0x7] =	wrdreg s14  }
0xc: {  	s30 =	simm.s32 $0x800;
	s0 =	sadd.s32 s0, s6;
	[dreg:$0x8] =	wrdreg s15  }
0xd: {  	s16 =	sadd.s32 $0x3000, s13;
	[dreg:$0x4] =	wrdreg s0;
	s0 =	sshrl.u32 s12, $0x3  }
0xe: {  	s17 =	sadd.s32 $0x3C00, s13;
	[dreg:$0x9] =	wrdreg s16;
	s0 =	sadd.s32 s4, s0  }
0xf: {  	s31 =	simm.s32 $0x3A00;
	[dreg:$0xa] =	wrdreg s17;
	s18 =	sadd.s32 $0x4800, s0  }
0x10: {  	s29 =	simm.s32 $0x5200;
	s19 =	sadd.s32 $0x5400, s0;
	[dreg:$0xb] =	wrdreg s18  }
0x11: {  	s2 =	sshll.u32 s2, $0xB;
	s20 =	sadd.s32 $0x6000, s0;
	[dreg:$0xc] =	wrdreg s19  }
0x12: {  	s5 =	sadd.s32 $0x100, s1;
	s21 =	sadd.s32 $0x6C00, s0;
	[dreg:$0xd] =	wrdreg s20  }
0x13: {  	s13 =	simm.s32 $0x1A00;
	s22 =	sadd.s32 $0x7800, s0;
	[dreg:$0xe] =	wrdreg s21  }
0x14: {  	s6 =	sadd.s32 $0x200, s1;
	s23 =	sadd.s32 $0x8400, s0;
	[dreg:$0xf] =	wrdreg s22  }
0x15: {  	s14 =	simm.s32 $0x2200;
	s24 =	sadd.s32 $0x9000, s0;
	[dreg:$0x10] =	wrdreg s23  }
0x16: {  	s15 =	simm.s32 $0x2A00;
	s25 =	sadd.s32 $0x9C00, s0;
	[dreg:$0x11] =	wrdreg s24  }
0x17: {  	s16 =	simm.s32 $0x5A00;
	s26 =	sadd.s32 $0xA800, s0;
	[dreg:$0x12] =	wrdreg s25  }
0x18: {  	s17 =	simm.s32 $0x6;
	s0 =	sadd.s32 $0xB400, s0;
	[dreg:$0x13] =	wrdreg s26  }
0x19: {  	s12 =	simm.s32 $0x1200;
	s22 =	sor.u32 s2, s7;
	[dreg:$0x14] =	wrdreg s0  }
0x1a: {  	v0 =	vlaneseq.u32;
	s24 =	simm.s32 $0xA00;
	s18 =	simm.s32 $0x3200;
	s23 =	simm.s32 $0x4200  }
0x1b: {  	vm0 =	vmmov $0xffff;
	v2 =	vshrl.u32 v0, $0x3;
	s21 =	simm.s32 $0x4A00;
	s19 =	simm.s32 $0x6200;
	s20 =	simm.s32 $0x6A00  }
0x1c: {  	v1 =	vand.u32 $0x7, v0;
	v3 =	vor.u32 $0x8, v0;
	v2 =	vmul.u32 $0x8, v2;
	s26 =	simm.s32 $0xC200;
	s0 =	simm.s32 $0x0;
	s25 =	sor.u32 $0x400, s22  }
.LBB2_1:
0x1d: {  	s4 =	rddreg [dreg:$0x4];
	s8 =	simm.s32 $0x100;
	s9 =	simm.s32 $0x400  }
0x1e: {  	[tilespmem:s3], [sflag:$0xB] =	stream.strided.gather [hbm4b:s4+s8], $0x800, s9, s8, $0x38;
	[tilespmem:$0x1EA00] =	vst v63  }
0x1f: {  	[dreg:$0x16] =	wrdreg s0;
	s8 =	simm.s32 $0xB  }
0x20: {  	_ =	swait.ge [sflag:s8], $0x800  }
0x21: {  	s10 =	sand.u32 $0x70, s3;
	s11 =	sand.u32 $0x700, s3;
	[sflag:s8] =	ssyncset.done $0x0  }
0x22: {  	s4 =	sor.u32 s10, s11;
	[sflag:s8] =	ssyncadd.s32 $0xFFFFF800  }
0x23: {  	v4 =	vld [tilespmem:s4+$0x0];
	_ =	sdelay $0x4  }
0x24: {  	vm1 =	vlt.s32 v4, $0x100;
	_ =	sdelay $0x3  }
0x25: {  	s28 =	simm.s32 $0x10;
	s11 =	sadd.s32 $0x0, s22;
	s4 =	simm.s32 $0x20  }
0x26: {  	s9 =	sand.u32 $0x70, s28;
	v5 =	vor.u32 s11, v0;
	s8 =	simm.s32 $0x20;
	s10 =	sand.u32 $0x700, s4  }
.LBB2_2:
0x27: {  	p0 =	sne.s32 s8, $0x3F0;
	s9 =	sor.u32 s9, s10;
	[tilespmem:v4+s30+$0x0] =	vst.idx.msk vm1, v5  }
0x28: {  	v4 =	vld [tilespmem:s9+$0x0];
	_ =	sdelay $0x4  }
0x29: {  	vm1 =	vlt.s32 v4, $0x100  }
.Ltmp0:
0x2a: {  	(pc) =	sbr.rel @p0 .LBB2_2-.Ltmp0, $3  }
0x2b: {  	_ =	sdelay $0x1  }
0x2c: {  	s11 =	sadd.s32 s28, s22;
	s4 =	sadd.s32 $0x20, s4;
	s28 =	smov.u32 s8  }
0x2d: {  	s8 =	sadd.s32 $0x10, s8;
	s9 =	sand.u32 $0x70, s28;
	s10 =	sand.u32 $0x700, s4;
	v5 =	vor.u32 s11, v0  }
0x2e: {  	_ =	sdelay $0x4  }
0x2f: {  	s4 =	sor.u32 s9, s10;
	[tilespmem:v4+s30+$0x0] =	vst.idx.msk vm1, v5  }
0x30: {  	v4 =	vld [tilespmem:s4+$0x0];
	_ =	sdelay $0x4  }
0x31: {  	vm1 =	vlt.s32 v4, $0x100;
	_ =	sdelay $0x3  }
0x32: {  	s10 =	sadd.s32 s28, s22  }
0x33: {  	v5 =	vor.u32 s10, v0  }
0x34: {  	[tilespmem:v4+s30+$0x0] =	vst.idx.msk vm1, v5  }
0x35: {  	v4 =	vld [tilespmem:$0x800];
	_ =	sdelay $0x4  }
0x36: {  	v5 =	vshrl.u32 v4, $0x3  }
0x37: {  	v5 =	vmul.u32 $0x30, v5  }
0x38: {  	v4 =	vand.u32 $0x7, v4  }
0x39: {  	v4 =	vor.u32 v4, v5  }
0x3a: {  	v5 =	vperm.xlane v4, v1;
	_ =	sdelay $0x1  }
0x3b: {  	v5 =	vadd.s32 v2, v5;
	_ =	sdelay $0x3  }
0x3c: {  	s11 =	simm.s32 $0x0;
	v4 =	vperm.xlane v4, v3  }
0x3d: {  	[tilespmem:s24], [sflag:$0x1] =	stream.indirect_vreg.gather [hbm4b:s1+s11], $0x80, v5, vm0, $0xb8;
	[tilespmem:$0x1EA00] =	vst v63  }
0x3e: {  	v4 =	vadd.s32 v2, v4  }
0x3f: {  	[tilespmem:s12], [sflag:$0x1] =	stream.indirect_vreg.gather [hbm4b:s5+s11], $0x80, v5, vm0, $0xb8;
	[tilespmem:$0x1EA00] =	vst v63  }
0x40: {  	_ = 	snop  }
0x41: {  	[tilespmem:s13], [sflag:$0x1] =	stream.indirect_vreg.gather [hbm4b:s6+s11], $0x80, v5, vm0, $0xb8;
	[tilespmem:$0x1EA00] =	vst v63  }
0x42: {  	_ = 	snop  }
0x43: {  	[tilespmem:s14], [sflag:$0x1] =	stream.indirect_vreg.gather [hbm4b:s1+s11], $0x80, v4, vm0, $0xb8;
	[tilespmem:$0x1EA00] =	vst v63  }
0x44: {  	_ = 	snop  }
0x45: {  	[tilespmem:s15], [sflag:$0x1] =	stream.indirect_vreg.gather [hbm4b:s5+s11], $0x80, v4, vm0, $0xb8;
	[tilespmem:$0x1EA00] =	vst v63  }
0x46: {  	_ = 	snop  }
0x47: {  	[tilespmem:s18], [sflag:$0x1] =	stream.indirect_vreg.gather [hbm4b:s6+s11], $0x80, v4, vm0, $0xb8;
	[tilespmem:$0x1EA00] =	vst v63  }
0x48: {  	v4 =	vld [tilespmem:$0x810];
	_ =	sdelay $0x4  }
0x49: {  	v5 =	vshrl.u32 v4, $0x3  }
0x4a: {  	v5 =	vmul.u32 $0x30, v5  }
0x4b: {  	v4 =	vand.u32 $0x7, v4  }
0x4c: {  	v4 =	vor.u32 v4, v5  }
0x4d: {  	v5 =	vperm.xlane v4, v1;
	_ =	sdelay $0x1  }
0x4e: {  	v5 =	vadd.s32 v2, v5;
	_ =	sdelay $0x3  }
0x4f: {  	v4 =	vperm.xlane v4, v3  }
0x50: {  	[tilespmem:s31], [sflag:$0x1] =	stream.indirect_vreg.gather [hbm4b:s1+s11], $0x80, v5, vm0, $0xb8;
	[tilespmem:$0x1EA00] =	vst v63  }
0x51: {  	v4 =	vadd.s32 v2, v4  }
0x52: {  	[tilespmem:s23], [sflag:$0x1] =	stream.indirect_vreg.gather [hbm4b:s5+s11], $0x80, v5, vm0, $0xb8;
	[tilespmem:$0x1EA00] =	vst v63  }
0x53: {  	_ = 	snop  }
0x54: {  	[tilespmem:s21], [sflag:$0x1] =	stream.indirect_vreg.gather [hbm4b:s6+s11], $0x80, v5, vm0, $0xb8;
	[tilespmem:$0x1EA00] =	vst v63  }
0x55: {  	_ = 	snop  }
0x56: {  	[tilespmem:s29], [sflag:$0x1] =	stream.indirect_vreg.gather [hbm4b:s1+s11], $0x80, v4, vm0, $0xb8;
	[tilespmem:$0x1EA00] =	vst v63  }
0x57: {  	_ = 	snop  }
0x58: {  	[tilespmem:s16], [sflag:$0x1] =	stream.indirect_vreg.gather [hbm4b:s5+s11], $0x80, v4, vm0, $0xb8;
	[tilespmem:$0x1EA00] =	vst v63  }
0x59: {  	_ = 	snop  }
0x5a: {  	[tilespmem:s19], [sflag:$0x1] =	stream.indirect_vreg.gather [hbm4b:s6+s11], $0x80, v4, vm0, $0xb8;
	[tilespmem:$0x1EA00] =	vst v63  }
0x5b: {  	v4 =	vld [tilespmem:$0x820];
	_ =	sdelay $0x4  }
0x5c: {  	v5 =	vshrl.u32 v4, $0x3  }
0x5d: {  	v5 =	vmul.u32 $0x30, v5  }
0x5e: {  	v4 =	vand.u32 $0x7, v4  }
0x5f: {  	v4 =	vor.u32 v4, v5  }
0x60: {  	v5 =	vperm.xlane v4, v1;
	_ =	sdelay $0x1  }
0x61: {  	v5 =	vadd.s32 v2, v5;
	_ =	sdelay $0x3  }
0x62: {  	v4 =	vperm.xlane v4, v3  }
0x63: {  	[tilespmem:s20], [sflag:$0x2] =	stream.indirect_vreg.gather [hbm4b:s1+s11], $0x80, v5, vm0, $0xb8;
	[tilespmem:$0x1EA00] =	vst v63  }
0x64: {  	s8 =	simm.s32 $0x7200;
	v4 =	vadd.s32 v2, v4  }
0x65: {  	[tilespmem:s8], [sflag:$0x2] =	stream.indirect_vreg.gather [hbm4b:s5+s11], $0x80, v5, vm0, $0xb8;
	[tilespmem:$0x1EA00] =	vst v63  }
0x66: {  	s14 =	simm.s32 $0x7A00  }
0x67: {  	[tilespmem:s14], [sflag:$0x2] =	stream.indirect_vreg.gather [hbm4b:s6+s11], $0x80, v5, vm0, $0xb8;
	[tilespmem:$0x1EA00] =	vst v63  }
0x68: {  	s15 =	simm.s32 $0x8200  }
0x69: {  	[tilespmem:s15], [sflag:$0x2] =	stream.indirect_vreg.gather [hbm4b:s1+s11], $0x80, v4, vm0, $0xb8;
	[tilespmem:$0x1EA00] =	vst v63  }
0x6a: {  	s16 =	simm.s32 $0x8A00  }
0x6b: {  	[tilespmem:s16], [sflag:$0x2] =	stream.indirect_vreg.gather [hbm4b:s5+s11], $0x80, v4, vm0, $0xb8;
	[tilespmem:$0x1EA00] =	vst v63  }
0x6c: {  	s18 =	simm.s32 $0x9200  }
0x6d: {  	[tilespmem:s18], [sflag:$0x2] =	stream.indirect_vreg.gather [hbm4b:s6+s11], $0x80, v4, vm0, $0xb8;
	[tilespmem:$0x1EA00] =	vst v63  }
0x6e: {  	v4 =	vld [tilespmem:$0x830];
	_ =	sdelay $0x4  }
0x6f: {  	v5 =	vshrl.u32 v4, $0x3  }
0x70: {  	v5 =	vmul.u32 $0x30, v5  }
0x71: {  	v4 =	vand.u32 $0x7, v4  }
0x72: {  	v4 =	vor.u32 v4, v5  }
0x73: {  	v5 =	vperm.xlane v4, v1;
	_ =	sdelay $0x1  }
0x74: {  	v5 =	vadd.s32 v2, v5;
	_ =	sdelay $0x3  }
0x75: {  	s19 =	simm.s32 $0x9A00;
	v4 =	vperm.xlane v4, v3  }
0x76: {  	[tilespmem:s19], [sflag:$0x2] =	stream.indirect_vreg.gather [hbm4b:s1+s11], $0x80, v5, vm0, $0xb8;
	[tilespmem:$0x1EA00] =	vst v63  }
0x77: {  	s0 =	simm.s32 $0xA200;
	v4 =	vadd.s32 v2, v4  }
0x78: {  	[tilespmem:s0], [sflag:$0x2] =	stream.indirect_vreg.gather [hbm4b:s5+s11], $0x80, v5, vm0, $0xb8;
	[tilespmem:$0x1EA00] =	vst v63  }
0x79: {  	s20 =	simm.s32 $0xAA00  }
0x7a: {  	[tilespmem:s20], [sflag:$0x2] =	stream.indirect_vreg.gather [hbm4b:s6+s11], $0x80, v5, vm0, $0xb8;
	[tilespmem:$0x1EA00] =	vst v63  }
0x7b: {  	s21 =	simm.s32 $0xB200  }
0x7c: {  	[tilespmem:s21], [sflag:$0x2] =	stream.indirect_vreg.gather [hbm4b:s1+s11], $0x80, v4, vm0, $0xb8;
	[tilespmem:$0x1EA00] =	vst v63  }
0x7d: {  	s4 =	sand.u32 $0x700, s11;
	s23 =	simm.s32 $0xBA00;
	s29 =	sand.u32 $0x70, s11  }
0x7e: {  	[tilespmem:s23], [sflag:$0x2] =	stream.indirect_vreg.gather [hbm4b:s5+s11], $0x80, v4, vm0, $0xb8;
	[tilespmem:$0x1EA00] =	vst v63  }
0x7f: {  	s4 =	sor.u32 s29, s4  }
0x80: {  	[tilespmem:s26], [sflag:$0x2] =	stream.indirect_vreg.gather [hbm4b:s6+s11], $0x80, v4, vm0, $0xb8;
	[tilespmem:$0x1EA00] =	vst v63  }
0x81: {  	v4 =	vld [tilespmem:s4+$0x80];
	_ =	sdelay $0x4  }
0x82: {  	vm1 =	vlt.s32 v4, $0x100  }
0x83: {  	v4 =	vadd.s32 $0x100, v4;
	_ =	sdelay $0x2  }
0x84: {  	s28 =	simm.s32 $0x10;
	s31 =	sadd.s32 $0x0, s25;
	s4 =	simm.s32 $0x20  }
0x85: {  	s9 =	sand.u32 $0x70, s28;
	s8 =	simm.s32 $0x20;
	v5 =	vor.u32 s31, v0;
	s10 =	sand.u32 $0x700, s4  }
.LBB2_4:
0x86: {  	p0 =	sne.s32 s8, $0x3F0;
	s9 =	sor.u32 s9, s10;
	[tilespmem:v4+s30+$0x0] =	vst.idx.msk vm1, v5  }
0x87: {  	v4 =	vld [tilespmem:s9+$0x80];
	_ =	sdelay $0x4  }
0x88: {  	vm1 =	vlt.s32 v4, $0x100  }
.Ltmp1:
0x89: {  	v4 =	vadd.s32 $0x100, v4;
	(pc) =	sbr.rel @p0 .LBB2_4-.Ltmp1, $3  }
0x8a: {  	_ =	sdelay $0x1  }
0x8b: {  	s11 =	sadd.s32 s28, s25;
	s4 =	sadd.s32 $0x20, s4;
	s28 =	smov.u32 s8  }
0x8c: {  	s8 =	sadd.s32 $0x10, s8;
	s9 =	sand.u32 $0x70, s28;
	s10 =	sand.u32 $0x700, s4;
	v5 =	vor.u32 s11, v0  }
0x8d: {  	_ =	sdelay $0x4  }
0x8e: {  	s4 =	sor.u32 s9, s10;
	[tilespmem:v4+s30+$0x0] =	vst.idx.msk vm1, v5  }
0x8f: {  	v4 =	vld [tilespmem:s4+$0x80];
	_ =	sdelay $0x4  }
0x90: {  	vm1 =	vlt.s32 v4, $0x100  }
0x91: {  	v4 =	vadd.s32 $0x100, v4;
	_ =	sdelay $0x2  }
0x92: {  	s11 =	sadd.s32 s28, s25  }
0x93: {  	v5 =	vor.u32 s11, v0  }
0x94: {  	[tilespmem:v4+s30+$0x0] =	vst.idx.msk vm1, v5  }
0x95: {  	v4 =	vld [tilespmem:$0x840];
	_ =	sdelay $0x4  }
0x96: {  	v5 =	vshrl.u32 v4, $0x3  }
0x97: {  	v5 =	vmul.u32 $0x30, v5  }
0x98: {  	v4 =	vand.u32 $0x7, v4  }
0x99: {  	v4 =	vor.u32 v4, v5  }
0x9a: {  	v5 =	vperm.xlane v4, v1;
	_ =	sdelay $0x1  }
0x9b: {  	v5 =	vadd.s32 v2, v5;
	_ =	sdelay $0x3  }
0x9c: {  	s16 =	simm.s32 $0xCA00;
	v4 =	vperm.xlane v4, v3  }
0x9d: {  	[tilespmem:s16], [sflag:$0x3] =	stream.indirect_vreg.gather [hbm4b:s1+s3], $0x80, v5, vm0, $0xb8;
	[tilespmem:$0x1EA00] =	vst v63  }
0x9e: {  	s0 =	simm.s32 $0xD200;
	v4 =	vadd.s32 v2, v4  }
0x9f: {  	[tilespmem:s0], [sflag:$0x3] =	stream.indirect_vreg.gather [hbm4b:s5+s3], $0x80, v5, vm0, $0xb8;
	[tilespmem:$0x1EA00] =	vst v63  }
0xa0: {  	s12 =	simm.s32 $0xDA00  }
0xa1: {  	[tilespmem:s12], [sflag:$0x3] =	stream.indirect_vreg.gather [hbm4b:s6+s3], $0x80, v5, vm0, $0xb8;
	[tilespmem:$0x1EA00] =	vst v63  }
0xa2: {  	s13 =	simm.s32 $0xE200  }
0xa3: {  	[tilespmem:s13], [sflag:$0x3] =	stream.indirect_vreg.gather [hbm4b:s1+s3], $0x80, v4, vm0, $0xb8;
	[tilespmem:$0x1EA00] =	vst v63  }
0xa4: {  	s14 =	simm.s32 $0xEA00  }
0xa5: {  	[tilespmem:s14], [sflag:$0x3] =	stream.indirect_vreg.gather [hbm4b:s5+s3], $0x80, v4, vm0, $0xb8;
	[tilespmem:$0x1EA00] =	vst v63  }
0xa6: {  	s15 =	simm.s32 $0xF200  }
0xa7: {  	[tilespmem:s15], [sflag:$0x3] =	stream.indirect_vreg.gather [hbm4b:s6+s3], $0x80, v4, vm0, $0xb8;
	[tilespmem:$0x1EA00] =	vst v63  }
0xa8: {  	v4 =	vld [tilespmem:$0x850];
	_ =	sdelay $0x4  }
0xa9: {  	v5 =	vshrl.u32 v4, $0x3  }
0xaa: {  	v5 =	vmul.u32 $0x30, v5  }
0xab: {  	v4 =	vand.u32 $0x7, v4  }
0xac: {  	v4 =	vor.u32 v4, v5  }
0xad: {  	v5 =	vperm.xlane v4, v1;
	_ =	sdelay $0x1  }
0xae: {  	v5 =	vadd.s32 v2, v5;
	_ =	sdelay $0x3  }
0xaf: {  	s18 =	simm.s32 $0xFA00;
	v4 =	vperm.xlane v4, v3  }
0xb0: {  	[tilespmem:s18], [sflag:$0x3] =	stream.indirect_vreg.gather [hbm4b:s1+s3], $0x80, v5, vm0, $0xb8;
	[tilespmem:$0x1EA00] =	vst v63  }
0xb1: {  	s19 =	simm.s32 $0x10200;
	v4 =	vadd.s32 v2, v4  }
0xb2: {  	[tilespmem:s19], [sflag:$0x3] =	stream.indirect_vreg.gather [hbm4b:s5+s3], $0x80, v5, vm0, $0xb8;
	[tilespmem:$0x1EA00] =	vst v63  }
0xb3: {  	s20 =	simm.s32 $0x10A00  }
0xb4: {  	[tilespmem:s20], [sflag:$0x3] =	stream.indirect_vreg.gather [hbm4b:s6+s3], $0x80, v5, vm0, $0xb8;
	[tilespmem:$0x1EA00] =	vst v63  }
0xb5: {  	s21 =	simm.s32 $0x11200  }
0xb6: {  	[tilespmem:s21], [sflag:$0x3] =	stream.indirect_vreg.gather [hbm4b:s1+s3], $0x80, v4, vm0, $0xb8;
	[tilespmem:$0x1EA00] =	vst v63  }
0xb7: {  	s23 =	simm.s32 $0x11A00  }
0xb8: {  	[tilespmem:s23], [sflag:$0x3] =	stream.indirect_vreg.gather [hbm4b:s5+s3], $0x80, v4, vm0, $0xb8;
	[tilespmem:$0x1EA00] =	vst v63  }
0xb9: {  	s26 =	simm.s32 $0x12200;
	s8 =	simm.s32 $0x1  }
0xba: {  	[tilespmem:s26], [sflag:$0x3] =	stream.indirect_vreg.gather [hbm4b:s6+s3], $0x80, v4, vm0, $0xb8;
	[tilespmem:$0x1EA00] =	vst v63  }
0xbb: {  	_ =	swait.ge [sflag:s8], $0x6000  }
0xbc: {  	[sflag:s8] =	ssyncset.done $0x0  }
0xbd: {  	s2 =	rddreg [dreg:$0x5];
	[sflag:s8] =	ssyncadd.s32 $0xFFFFA000  }
0xbe: {  	[hbm4b:s2+s3] =	stream.linear.scatter [tilespmem:s24], [sflag:$0x6], $0x6000, $0x38;
	[tilespmem:$0x1EA00] =	vst v63  }
0xbf: {  	v4 =	vld [tilespmem:$0x860];
	_ =	sdelay $0x4  }
0xc0: {  	v5 =	vshrl.u32 v4, $0x3  }
0xc1: {  	v5 =	vmul.u32 $0x30, v5  }
0xc2: {  	v4 =	vand.u32 $0x7, v4  }
0xc3: {  	v4 =	vor.u32 v4, v5  }
0xc4: {  	v5 =	vperm.xlane v4, v1;
	_ =	sdelay $0x1  }
0xc5: {  	v5 =	vadd.s32 v2, v5;
	_ =	sdelay $0x3  }
0xc6: {  	s4 =	simm.s32 $0x12A00;
	v4 =	vperm.xlane v4, v3  }
0xc7: {  	[tilespmem:s4], [sflag:$0x4] =	stream.indirect_vreg.gather [hbm4b:s1+s3], $0x80, v5, vm0, $0xb8;
	[tilespmem:$0x1EA00] =	vst v63  }
0xc8: {  	s2 =	simm.s32 $0x13200;
	v4 =	vadd.s32 v2, v4  }
0xc9: {  	[tilespmem:s2], [sflag:$0x4] =	stream.indirect_vreg.gather [hbm4b:s5+s3], $0x80, v5, vm0, $0xb8;
	[tilespmem:$0x1EA00] =	vst v63  }
0xca: {  	s7 =	simm.s32 $0x13A00  }
0xcb: {  	[tilespmem:s7], [sflag:$0x4] =	stream.indirect_vreg.gather [hbm4b:s6+s3], $0x80, v5, vm0, $0xb8;
	[tilespmem:$0x1EA00] =	vst v63  }
0xcc: {  	s9 =	simm.s32 $0x14200  }
0xcd: {  	[tilespmem:s9], [sflag:$0x4] =	stream.indirect_vreg.gather [hbm4b:s1+s3], $0x80, v4, vm0, $0xb8;
	[tilespmem:$0x1EA00] =	vst v63  }
0xce: {  	s10 =	simm.s32 $0x14A00  }
0xcf: {  	[tilespmem:s10], [sflag:$0x4] =	stream.indirect_vreg.gather [hbm4b:s5+s3], $0x80, v4, vm0, $0xb8;
	[tilespmem:$0x1EA00] =	vst v63  }
0xd0: {  	s11 =	simm.s32 $0x15200  }
0xd1: {  	[tilespmem:s11], [sflag:$0x4] =	stream.indirect_vreg.gather [hbm4b:s6+s3], $0x80, v4, vm0, $0xb8;
	[tilespmem:$0x1EA00] =	vst v63  }
0xd2: {  	v4 =	vld [tilespmem:$0x870];
	_ =	sdelay $0x4  }
0xd3: {  	v5 =	vshrl.u32 v4, $0x3  }
0xd4: {  	v5 =	vmul.u32 $0x30, v5  }
0xd5: {  	v4 =	vand.u32 $0x7, v4  }
0xd6: {  	v4 =	vor.u32 v4, v5  }
0xd7: {  	v5 =	vperm.xlane v4, v1;
	_ =	sdelay $0x1  }
0xd8: {  	v5 =	vadd.s32 v2, v5;
	_ =	sdelay $0x3  }
0xd9: {  	s12 =	simm.s32 $0x15A00;
	v4 =	vperm.xlane v4, v3  }
0xda: {  	[tilespmem:s12], [sflag:$0x4] =	stream.indirect_vreg.gather [hbm4b:s1+s3], $0x80, v5, vm0, $0xb8;
	[tilespmem:$0x1EA00] =	vst v63  }
0xdb: {  	s13 =	simm.s32 $0x16200;
	v4 =	vadd.s32 v2, v4  }
0xdc: {  	[tilespmem:s13], [sflag:$0x4] =	stream.indirect_vreg.gather [hbm4b:s5+s3], $0x80, v5, vm0, $0xb8;
	[tilespmem:$0x1EA00] =	vst v63  }
0xdd: {  	s14 =	simm.s32 $0x16A00  }
0xde: {  	[tilespmem:s14], [sflag:$0x4] =	stream.indirect_vreg.gather [hbm4b:s6+s3], $0x80, v5, vm0, $0xb8;
	[tilespmem:$0x1EA00] =	vst v63  }
0xdf: {  	s15 =	simm.s32 $0x17200  }
0xe0: {  	[tilespmem:s15], [sflag:$0x4] =	stream.indirect_vreg.gather [hbm4b:s1+s3], $0x80, v4, vm0, $0xb8;
	[tilespmem:$0x1EA00] =	vst v63  }
0xe1: {  	s18 =	simm.s32 $0x17A00  }
0xe2: {  	[tilespmem:s18], [sflag:$0x4] =	stream.indirect_vreg.gather [hbm4b:s5+s3], $0x80, v4, vm0, $0xb8;
	[tilespmem:$0x1EA00] =	vst v63  }
0xe3: {  	s19 =	simm.s32 $0x18200;
	s14 =	simm.s32 $0x2  }
0xe4: {  	[tilespmem:s19], [sflag:$0x4] =	stream.indirect_vreg.gather [hbm4b:s6+s3], $0x80, v4, vm0, $0xb8;
	[tilespmem:$0x1EA00] =	vst v63  }
0xe5: {  	_ =	swait.ge [sflag:s14], $0x6000  }
0xe6: {  	[sflag:s14] =	ssyncset.done $0x0  }
0xe7: {  	s13 =	simm.s32 $0x6A00;
	s20 =	rddreg [dreg:$0x6];
	[sflag:s14] =	ssyncadd.s32 $0xFFFFA000  }
0xe8: {  	[hbm4b:s20+s3] =	stream.linear.scatter [tilespmem:s13], [sflag:$0x7], $0x6000, $0x38;
	[tilespmem:$0x1EA00] =	vst v63  }
0xe9: {  	v4 =	vld [tilespmem:$0x880];
	_ =	sdelay $0x4  }
0xea: {  	v5 =	vshrl.u32 v4, $0x3  }
0xeb: {  	v5 =	vmul.u32 $0x30, v5  }
0xec: {  	v4 =	vand.u32 $0x7, v4  }
0xed: {  	v4 =	vor.u32 v4, v5  }
0xee: {  	v5 =	vperm.xlane v4, v1;
	_ =	sdelay $0x1  }
0xef: {  	v5 =	vadd.s32 v2, v5;
	_ =	sdelay $0x3  }
0xf0: {  	s21 =	simm.s32 $0x18A00;
	v4 =	vperm.xlane v4, v3  }
0xf1: {  	[tilespmem:s21], [sflag:$0x5] =	stream.indirect_vreg.gather [hbm4b:s1+s3], $0x80, v5, vm0, $0xb8;
	[tilespmem:$0x1EA00] =	vst v63  }
0xf2: {  	s23 =	simm.s32 $0x19200;
	v4 =	vadd.s32 v2, v4  }
0xf3: {  	[tilespmem:s23], [sflag:$0x5] =	stream.indirect_vreg.gather [hbm4b:s5+s3], $0x80, v5, vm0, $0xb8;
	[tilespmem:$0x1EA00] =	vst v63  }
0xf4: {  	s26 =	simm.s32 $0x19A00  }
0xf5: {  	[tilespmem:s26], [sflag:$0x5] =	stream.indirect_vreg.gather [hbm4b:s6+s3], $0x80, v5, vm0, $0xb8;
	[tilespmem:$0x1EA00] =	vst v63  }
0xf6: {  	s4 =	simm.s32 $0x1A200  }
0xf7: {  	[tilespmem:s4], [sflag:$0x5] =	stream.indirect_vreg.gather [hbm4b:s1+s3], $0x80, v4, vm0, $0xb8;
	[tilespmem:$0x1EA00] =	vst v63  }
0xf8: {  	s9 =	simm.s32 $0x1AA00  }
0xf9: {  	[tilespmem:s9], [sflag:$0x5] =	stream.indirect_vreg.gather [hbm4b:s5+s3], $0x80, v4, vm0, $0xb8;
	[tilespmem:$0x1EA00] =	vst v63  }
0xfa: {  	s10 =	simm.s32 $0x1B200  }
0xfb: {  	[tilespmem:s10], [sflag:$0x5] =	stream.indirect_vreg.gather [hbm4b:s6+s3], $0x80, v4, vm0, $0xb8;
	[tilespmem:$0x1EA00] =	vst v63  }
0xfc: {  	v4 =	vld [tilespmem:$0x890];
	_ =	sdelay $0x4  }
0xfd: {  	v5 =	vshrl.u32 v4, $0x3  }
0xfe: {  	v5 =	vmul.u32 $0x30, v5  }
0xff: {  	v4 =	vand.u32 $0x7, v4  }
0x100: {  	v4 =	vor.u32 v4, v5  }
0x101: {  	v5 =	vperm.xlane v4, v1;
	_ =	sdelay $0x1  }
0x102: {  	v5 =	vadd.s32 v2, v5;
	_ =	sdelay $0x3  }
0x103: {  	s11 =	simm.s32 $0x1BA00;
	v4 =	vperm.xlane v4, v3  }
0x104: {  	[tilespmem:s11], [sflag:$0x5] =	stream.indirect_vreg.gather [hbm4b:s1+s3], $0x80, v5, vm0, $0xb8;
	[tilespmem:$0x1EA00] =	vst v63  }
0x105: {  	s12 =	simm.s32 $0x1C200;
	v4 =	vadd.s32 v2, v4  }
0x106: {  	[tilespmem:s12], [sflag:$0x5] =	stream.indirect_vreg.gather [hbm4b:s5+s3], $0x80, v5, vm0, $0xb8;
	[tilespmem:$0x1EA00] =	vst v63  }
0x107: {  	s15 =	simm.s32 $0x1CA00  }
0x108: {  	[tilespmem:s15], [sflag:$0x5] =	stream.indirect_vreg.gather [hbm4b:s6+s3], $0x80, v5, vm0, $0xb8;
	[tilespmem:$0x1EA00] =	vst v63  }
0x109: {  	s18 =	simm.s32 $0x1D200  }
0x10a: {  	[tilespmem:s18], [sflag:$0x5] =	stream.indirect_vreg.gather [hbm4b:s1+s3], $0x80, v4, vm0, $0xb8;
	[tilespmem:$0x1EA00] =	vst v63  }
0x10b: {  	s19 =	simm.s32 $0x1DA00  }
0x10c: {  	[tilespmem:s19], [sflag:$0x5] =	stream.indirect_vreg.gather [hbm4b:s5+s3], $0x80, v4, vm0, $0xb8;
	[tilespmem:$0x1EA00] =	vst v63  }
0x10d: {  	s20 =	simm.s32 $0x1E200;
	s15 =	simm.s32 $0x3  }
0x10e: {  	[tilespmem:s20], [sflag:$0x5] =	stream.indirect_vreg.gather [hbm4b:s6+s3], $0x80, v4, vm0, $0xb8;
	[tilespmem:$0x1EA00] =	vst v63  }
0x10f: {  	_ =	swait.ge [sflag:s15], $0x6000  }
0x110: {  	[sflag:s15] =	ssyncset.done $0x0  }
0x111: {  	s21 =	rddreg [dreg:$0x7];
	[sflag:s15] =	ssyncadd.s32 $0xFFFFA000  }
0x112: {  	[hbm4b:s21+s3] =	stream.linear.scatter [tilespmem:s16], [sflag:$0x8], $0x6000, $0x38;
	[tilespmem:$0x1EA00] =	vst v63  }
0x113: {  	_ =	swait.ge [sflag:s17], $0x6000  }
0x114: {  	[sflag:s17] =	ssyncset.done $0x0  }
0x115: {  	[sflag:s17] =	ssyncadd.s32 $0xFFFFA000  }
0x116: {  	v4 =	vld [tilespmem:$0x8A0];
	_ =	sdelay $0x4  }
0x117: {  	v5 =	vshrl.u32 v4, $0x3  }
0x118: {  	v5 =	vmul.u32 $0x30, v5  }
0x119: {  	v4 =	vand.u32 $0x7, v4  }
0x11a: {  	v4 =	vor.u32 v4, v5  }
0x11b: {  	v5 =	vperm.xlane v4, v1;
	_ =	sdelay $0x1  }
0x11c: {  	v5 =	vadd.s32 v2, v5;
	_ =	sdelay $0x3  }
0x11d: {  	v4 =	vperm.xlane v4, v3  }
0x11e: {  	[tilespmem:s24], [sflag:$0x1] =	stream.indirect_vreg.gather [hbm4b:s1+s3], $0x80, v5, vm0, $0xb8;
	[tilespmem:$0x1EA00] =	vst v63  }
0x11f: {  	s23 =	simm.s32 $0x1200;
	v4 =	vadd.s32 v2, v4  }
0x120: {  	[tilespmem:s23], [sflag:$0x1] =	stream.indirect_vreg.gather [hbm4b:s5+s3], $0x80, v5, vm0, $0xb8;
	[tilespmem:$0x1EA00] =	vst v63  }
0x121: {  	s24 =	simm.s32 $0x1A00  }
0x122: {  	[tilespmem:s24], [sflag:$0x1] =	stream.indirect_vreg.gather [hbm4b:s6+s3], $0x80, v5, vm0, $0xb8;
	[tilespmem:$0x1EA00] =	vst v63  }
0x123: {  	s26 =	simm.s32 $0x2200  }
0x124: {  	[tilespmem:s26], [sflag:$0x1] =	stream.indirect_vreg.gather [hbm4b:s1+s3], $0x80, v4, vm0, $0xb8;
	[tilespmem:$0x1EA00] =	vst v63  }
0x125: {  	s4 =	simm.s32 $0x2A00  }
0x126: {  	[tilespmem:s4], [sflag:$0x1] =	stream.indirect_vreg.gather [hbm4b:s5+s3], $0x80, v4, vm0, $0xb8;
	[tilespmem:$0x1EA00] =	vst v63  }
0x127: {  	s9 =	simm.s32 $0x3200  }
0x128: {  	[tilespmem:s9], [sflag:$0x1] =	stream.indirect_vreg.gather [hbm4b:s6+s3], $0x80, v4, vm0, $0xb8;
	[tilespmem:$0x1EA00] =	vst v63  }
0x129: {  	v4 =	vld [tilespmem:$0x8B0];
	_ =	sdelay $0x4  }
0x12a: {  	v5 =	vshrl.u32 v4, $0x3  }
0x12b: {  	v5 =	vmul.u32 $0x30, v5  }
0x12c: {  	v4 =	vand.u32 $0x7, v4  }
0x12d: {  	v4 =	vor.u32 v4, v5  }
0x12e: {  	v5 =	vperm.xlane v4, v1;
	_ =	sdelay $0x1  }
0x12f: {  	v5 =	vadd.s32 v2, v5;
	_ =	sdelay $0x3  }
0x130: {  	s10 =	simm.s32 $0x3A00;
	v4 =	vperm.xlane v4, v3  }
0x131: {  	[tilespmem:s10], [sflag:$0x1] =	stream.indirect_vreg.gather [hbm4b:s1+s3], $0x80, v5, vm0, $0xb8;
	[tilespmem:$0x1EA00] =	vst v63  }
0x132: {  	s11 =	simm.s32 $0x4200;
	v4 =	vadd.s32 v2, v4  }
0x133: {  	[tilespmem:s11], [sflag:$0x1] =	stream.indirect_vreg.gather [hbm4b:s5+s3], $0x80, v5, vm0, $0xb8;
	[tilespmem:$0x1EA00] =	vst v63  }
0x134: {  	s12 =	simm.s32 $0x4A00  }
0x135: {  	[tilespmem:s12], [sflag:$0x1] =	stream.indirect_vreg.gather [hbm4b:s6+s3], $0x80, v5, vm0, $0xb8;
	[tilespmem:$0x1EA00] =	vst v63  }
0x136: {  	s18 =	simm.s32 $0x5200  }
0x137: {  	[tilespmem:s18], [sflag:$0x1] =	stream.indirect_vreg.gather [hbm4b:s1+s3], $0x80, v4, vm0, $0xb8;
	[tilespmem:$0x1EA00] =	vst v63  }
0x138: {  	s19 =	simm.s32 $0x5A00  }
0x139: {  	[tilespmem:s19], [sflag:$0x1] =	stream.indirect_vreg.gather [hbm4b:s5+s3], $0x80, v4, vm0, $0xb8;
	[tilespmem:$0x1EA00] =	vst v63  }
0x13a: {  	s20 =	simm.s32 $0x6200;
	s9 =	simm.s32 $0x4  }
0x13b: {  	[tilespmem:s20], [sflag:$0x1] =	stream.indirect_vreg.gather [hbm4b:s6+s3], $0x80, v4, vm0, $0xb8;
	[tilespmem:$0x1EA00] =	vst v63  }
0x13c: {  	_ =	swait.ge [sflag:s9], $0x6000  }
0x13d: {  	s0 =	simm.s32 $0x12A00;
	[sflag:s9] =	ssyncset.done $0x0  }
0x13e: {  	s10 =	simm.s32 $0x7;
	s21 =	rddreg [dreg:$0x8];
	[sflag:s9] =	ssyncadd.s32 $0xFFFFA000  }
0x13f: {  	[hbm4b:s21+s3] =	stream.linear.scatter [tilespmem:s0], [sflag:$0x9], $0x6000, $0x38;
	[tilespmem:$0x1EA00] =	vst v63  }
0x140: {  	_ =	swait.ge [sflag:s10], $0x6000  }
0x141: {  	[sflag:s10] =	ssyncset.done $0x0  }
0x142: {  	[sflag:s10] =	ssyncadd.s32 $0xFFFFA000  }
0x143: {  	v4 =	vld [tilespmem:$0x8C0];
	_ =	sdelay $0x4  }
0x144: {  	v5 =	vshrl.u32 v4, $0x3  }
0x145: {  	v5 =	vmul.u32 $0x30, v5  }
0x146: {  	v4 =	vand.u32 $0x7, v4  }
0x147: {  	v4 =	vor.u32 v4, v5  }
0x148: {  	v5 =	vperm.xlane v4, v1;
	_ =	sdelay $0x1  }
0x149: {  	v5 =	vadd.s32 v2, v5;
	_ =	sdelay $0x3  }
0x14a: {  	v4 =	vperm.xlane v4, v3  }
0x14b: {  	[tilespmem:s13], [sflag:$0x2] =	stream.indirect_vreg.gather [hbm4b:s1+s3], $0x80, v5, vm0, $0xb8;
	[tilespmem:$0x1EA00] =	vst v63  }
0x14c: {  	s24 =	simm.s32 $0x7200;
	v4 =	vadd.s32 v2, v4  }
0x14d: {  	[tilespmem:s24], [sflag:$0x2] =	stream.indirect_vreg.gather [hbm4b:s5+s3], $0x80, v5, vm0, $0xb8;
	[tilespmem:$0x1EA00] =	vst v63  }
0x14e: {  	s26 =	simm.s32 $0x7A00  }
0x14f: {  	[tilespmem:s26], [sflag:$0x2] =	stream.indirect_vreg.gather [hbm4b:s6+s3], $0x80, v5, vm0, $0xb8;
	[tilespmem:$0x1EA00] =	vst v63  }
0x150: {  	s23 =	simm.s32 $0x8200  }
0x151: {  	[tilespmem:s23], [sflag:$0x2] =	stream.indirect_vreg.gather [hbm4b:s1+s3], $0x80, v4, vm0, $0xb8;
	[tilespmem:$0x1EA00] =	vst v63  }
0x152: {  	s18 =	simm.s32 $0x8A00  }
0x153: {  	[tilespmem:s18], [sflag:$0x2] =	stream.indirect_vreg.gather [hbm4b:s5+s3], $0x80, v4, vm0, $0xb8;
	[tilespmem:$0x1EA00] =	vst v63  }
0x154: {  	s19 =	simm.s32 $0x9200  }
0x155: {  	[tilespmem:s19], [sflag:$0x2] =	stream.indirect_vreg.gather [hbm4b:s6+s3], $0x80, v4, vm0, $0xb8;
	[tilespmem:$0x1EA00] =	vst v63  }
0x156: {  	v4 =	vld [tilespmem:$0x8D0];
	_ =	sdelay $0x4  }
0x157: {  	v5 =	vshrl.u32 v4, $0x3  }
0x158: {  	v5 =	vmul.u32 $0x30, v5  }
0x159: {  	v4 =	vand.u32 $0x7, v4  }
0x15a: {  	v4 =	vor.u32 v4, v5  }
0x15b: {  	v5 =	vperm.xlane v4, v1;
	_ =	sdelay $0x1  }
0x15c: {  	v5 =	vadd.s32 v2, v5;
	_ =	sdelay $0x3  }
0x15d: {  	s20 =	simm.s32 $0x9A00;
	v4 =	vperm.xlane v4, v3  }
0x15e: {  	[tilespmem:s20], [sflag:$0x2] =	stream.indirect_vreg.gather [hbm4b:s1+s3], $0x80, v5, vm0, $0xb8;
	[tilespmem:$0x1EA00] =	vst v63  }
0x15f: {  	s21 =	simm.s32 $0xA200;
	v4 =	vadd.s32 v2, v4  }
0x160: {  	[tilespmem:s21], [sflag:$0x2] =	stream.indirect_vreg.gather [hbm4b:s5+s3], $0x80, v5, vm0, $0xb8;
	[tilespmem:$0x1EA00] =	vst v63  }
0x161: {  	s23 =	simm.s32 $0xAA00  }
0x162: {  	[tilespmem:s23], [sflag:$0x2] =	stream.indirect_vreg.gather [hbm4b:s6+s3], $0x80, v5, vm0, $0xb8;
	[tilespmem:$0x1EA00] =	vst v63  }
0x163: {  	s29 =	simm.s32 $0xB200  }
0x164: {  	[tilespmem:s29], [sflag:$0x2] =	stream.indirect_vreg.gather [hbm4b:s1+s3], $0x80, v4, vm0, $0xb8;
	[tilespmem:$0x1EA00] =	vst v63  }
0x165: {  	s31 =	simm.s32 $0xBA00  }
0x166: {  	[tilespmem:s31], [sflag:$0x2] =	stream.indirect_vreg.gather [hbm4b:s5+s3], $0x80, v4, vm0, $0xb8;
	[tilespmem:$0x1EA00] =	vst v63  }
0x167: {  	s2 =	simm.s32 $0x5;
	s4 =	simm.s32 $0xC200  }
0x168: {  	[tilespmem:s4], [sflag:$0x2] =	stream.indirect_vreg.gather [hbm4b:s6+s3], $0x80, v4, vm0, $0xb8;
	[tilespmem:$0x1EA00] =	vst v63  }
0x169: {  	_ =	swait.ge [sflag:s2], $0x6000  }
0x16a: {  	[sflag:s2] =	ssyncset.done $0x0  }
0x16b: {  	s7 =	simm.s32 $0x18A00;
	s11 =	rddreg [dreg:$0x9];
	[sflag:s2] =	ssyncadd.s32 $0xFFFFA000  }
0x16c: {  	[hbm4b:s11+s3] =	stream.linear.scatter [tilespmem:s7], [sflag:$0xA], $0x6000, $0x38;
	[tilespmem:$0x1EA00] =	vst v63  }
0x16d: {  	s7 =	simm.s32 $0x8  }
0x16e: {  	_ =	swait.ge [sflag:s7], $0x6000  }
0x16f: {  	[sflag:s7] =	ssyncset.done $0x0  }
0x170: {  	[sflag:s7] =	ssyncadd.s32 $0xFFFFA000  }
0x171: {  	v4 =	vld [tilespmem:$0x8E0];
	_ =	sdelay $0x4  }
0x172: {  	v5 =	vshrl.u32 v4, $0x3  }
0x173: {  	v5 =	vmul.u32 $0x30, v5  }
0x174: {  	v4 =	vand.u32 $0x7, v4  }
0x175: {  	v4 =	vor.u32 v4, v5  }
0x176: {  	v5 =	vperm.xlane v4, v1;
	_ =	sdelay $0x1  }
0x177: {  	v5 =	vadd.s32 v2, v5;
	_ =	sdelay $0x3  }
0x178: {  	v4 =	vperm.xlane v4, v3  }
0x179: {  	[tilespmem:s16], [sflag:$0x3] =	stream.indirect_vreg.gather [hbm4b:s1+s3], $0x80, v5, vm0, $0xb8;
	[tilespmem:$0x1EA00] =	vst v63  }
0x17a: {  	s12 =	simm.s32 $0xD200;
	v4 =	vadd.s32 v2, v4  }
0x17b: {  	[tilespmem:s12], [sflag:$0x3] =	stream.indirect_vreg.gather [hbm4b:s5+s3], $0x80, v5, vm0, $0xb8;
	[tilespmem:$0x1EA00] =	vst v63  }
0x17c: {  	s12 =	simm.s32 $0xDA00  }
0x17d: {  	[tilespmem:s12], [sflag:$0x3] =	stream.indirect_vreg.gather [hbm4b:s6+s3], $0x80, v5, vm0, $0xb8;
	[tilespmem:$0x1EA00] =	vst v63  }
0x17e: {  	s12 =	simm.s32 $0xE200  }
0x17f: {  	[tilespmem:s12], [sflag:$0x3] =	stream.indirect_vreg.gather [hbm4b:s1+s3], $0x80, v4, vm0, $0xb8;
	[tilespmem:$0x1EA00] =	vst v63  }
0x180: {  	s12 =	simm.s32 $0xEA00  }
0x181: {  	[tilespmem:s12], [sflag:$0x3] =	stream.indirect_vreg.gather [hbm4b:s5+s3], $0x80, v4, vm0, $0xb8;
	[tilespmem:$0x1EA00] =	vst v63  }
0x182: {  	s28 =	simm.s32 $0xF200  }
0x183: {  	[tilespmem:s28], [sflag:$0x3] =	stream.indirect_vreg.gather [hbm4b:s6+s3], $0x80, v4, vm0, $0xb8;
	[tilespmem:$0x1EA00] =	vst v63  }
0x184: {  	v4 =	vld [tilespmem:$0x8F0];
	_ =	sdelay $0x4  }
0x185: {  	v5 =	vshrl.u32 v4, $0x3  }
0x186: {  	v5 =	vmul.u32 $0x30, v5  }
0x187: {  	v4 =	vand.u32 $0x7, v4  }
0x188: {  	v4 =	vor.u32 v4, v5  }
0x189: {  	v5 =	vperm.xlane v4, v1;
	_ =	sdelay $0x1  }
0x18a: {  	v5 =	vadd.s32 v2, v5;
	_ =	sdelay $0x3  }
0x18b: {  	s12 =	simm.s32 $0xFA00;
	v4 =	vperm.xlane v4, v3  }
0x18c: {  	[tilespmem:s12], [sflag:$0x3] =	stream.indirect_vreg.gather [hbm4b:s1+s3], $0x80, v5, vm0, $0xb8;
	[tilespmem:$0x1EA00] =	vst v63  }
0x18d: {  	s28 =	simm.s32 $0x10200;
	v4 =	vadd.s32 v2, v4  }
0x18e: {  	[tilespmem:s28], [sflag:$0x3] =	stream.indirect_vreg.gather [hbm4b:s5+s3], $0x80, v5, vm0, $0xb8;
	[tilespmem:$0x1EA00] =	vst v63  }
0x18f: {  	s12 =	simm.s32 $0x10A00  }
0x190: {  	[tilespmem:s12], [sflag:$0x3] =	stream.indirect_vreg.gather [hbm4b:s6+s3], $0x80, v5, vm0, $0xb8;
	[tilespmem:$0x1EA00] =	vst v63  }
0x191: {  	s28 =	simm.s32 $0x11200  }
0x192: {  	[tilespmem:s28], [sflag:$0x3] =	stream.indirect_vreg.gather [hbm4b:s1+s3], $0x80, v4, vm0, $0xb8;
	[tilespmem:$0x1EA00] =	vst v63  }
0x193: {  	s12 =	simm.s32 $0x11A00  }
0x194: {  	[tilespmem:s12], [sflag:$0x3] =	stream.indirect_vreg.gather [hbm4b:s5+s3], $0x80, v4, vm0, $0xb8;
	[tilespmem:$0x1EA00] =	vst v63  }
0x195: {  	s28 =	simm.s32 $0x12200  }
0x196: {  	[tilespmem:s28], [sflag:$0x3] =	stream.indirect_vreg.gather [hbm4b:s6+s3], $0x80, v4, vm0, $0xb8;
	[tilespmem:$0x1EA00] =	vst v63  }
0x197: {  	_ =	swait.ge [sflag:s8], $0x6000  }
0x198: {  	s12 =	simm.s32 $0xA00;
	[sflag:s8] =	ssyncset.done $0x0  }
0x199: {  	s28 =	simm.s32 $0x9;
	s4 =	rddreg [dreg:$0xa];
	[sflag:s8] =	ssyncadd.s32 $0xFFFFA000  }
0x19a: {  	[hbm4b:s4+s3] =	stream.linear.scatter [tilespmem:s12], [sflag:$0x6], $0x6000, $0x38;
	[tilespmem:$0x1EA00] =	vst v63  }
0x19b: {  	_ =	swait.ge [sflag:s28], $0x6000  }
0x19c: {  	[sflag:s28] =	ssyncset.done $0x0  }
0x19d: {  	[sflag:s28] =	ssyncadd.s32 $0xFFFFA000  }
0x19e: {  	v4 =	vld [tilespmem:$0x900];
	_ =	sdelay $0x4  }
0x19f: {  	v5 =	vshrl.u32 v4, $0x3  }
0x1a0: {  	v5 =	vmul.u32 $0x30, v5  }
0x1a1: {  	v4 =	vand.u32 $0x7, v4  }
0x1a2: {  	v4 =	vor.u32 v4, v5  }
0x1a3: {  	v5 =	vperm.xlane v4, v1;
	_ =	sdelay $0x1  }
0x1a4: {  	v5 =	vadd.s32 v2, v5;
	_ =	sdelay $0x3  }
0x1a5: {  	s0 =	simm.s32 $0x12A00;
	v4 =	vperm.xlane v4, v3  }
0x1a6: {  	[tilespmem:s0], [sflag:$0x4] =	stream.indirect_vreg.gather [hbm4b:s1+s3], $0x80, v5, vm0, $0xb8;
	[tilespmem:$0x1EA00] =	vst v63  }
0x1a7: {  	s12 =	simm.s32 $0x13200;
	v4 =	vadd.s32 v2, v4  }
0x1a8: {  	[tilespmem:s12], [sflag:$0x4] =	stream.indirect_vreg.gather [hbm4b:s5+s3], $0x80, v5, vm0, $0xb8;
	[tilespmem:$0x1EA00] =	vst v63  }
0x1a9: {  	s4 =	simm.s32 $0x13A00  }
0x1aa: {  	[tilespmem:s4], [sflag:$0x4] =	stream.indirect_vreg.gather [hbm4b:s6+s3], $0x80, v5, vm0, $0xb8;
	[tilespmem:$0x1EA00] =	vst v63  }
0x1ab: {  	s12 =	simm.s32 $0x14200  }
0x1ac: {  	[tilespmem:s12], [sflag:$0x4] =	stream.indirect_vreg.gather [hbm4b:s1+s3], $0x80, v4, vm0, $0xb8;
	[tilespmem:$0x1EA00] =	vst v63  }
0x1ad: {  	s4 =	simm.s32 $0x14A00  }
0x1ae: {  	[tilespmem:s4], [sflag:$0x4] =	stream.indirect_vreg.gather [hbm4b:s5+s3], $0x80, v4, vm0, $0xb8;
	[tilespmem:$0x1EA00] =	vst v63  }
0x1af: {  	s12 =	simm.s32 $0x15200  }
0x1b0: {  	[tilespmem:s12], [sflag:$0x4] =	stream.indirect_vreg.gather [hbm4b:s6+s3], $0x80, v4, vm0, $0xb8;
	[tilespmem:$0x1EA00] =	vst v63  }
0x1b1: {  	v4 =	vld [tilespmem:$0x910];
	_ =	sdelay $0x4  }
0x1b2: {  	v5 =	vshrl.u32 v4, $0x3  }
0x1b3: {  	v5 =	vmul.u32 $0x30, v5  }
0x1b4: {  	v4 =	vand.u32 $0x7, v4  }
0x1b5: {  	v4 =	vor.u32 v4, v5  }
0x1b6: {  	v5 =	vperm.xlane v4, v1;
	_ =	sdelay $0x1  }
0x1b7: {  	v5 =	vadd.s32 v2, v5;
	_ =	sdelay $0x3  }
0x1b8: {  	s4 =	simm.s32 $0x15A00;
	v4 =	vperm.xlane v4, v3  }
0x1b9: {  	[tilespmem:s4], [sflag:$0x4] =	stream.indirect_vreg.gather [hbm4b:s1+s3], $0x80, v5, vm0, $0xb8;
	[tilespmem:$0x1EA00] =	vst v63  }
0x1ba: {  	s12 =	simm.s32 $0x16200;
	v4 =	vadd.s32 v2, v4  }
0x1bb: {  	[tilespmem:s12], [sflag:$0x4] =	stream.indirect_vreg.gather [hbm4b:s5+s3], $0x80, v5, vm0, $0xb8;
	[tilespmem:$0x1EA00] =	vst v63  }
0x1bc: {  	s4 =	simm.s32 $0x16A00  }
0x1bd: {  	[tilespmem:s4], [sflag:$0x4] =	stream.indirect_vreg.gather [hbm4b:s6+s3], $0x80, v5, vm0, $0xb8;
	[tilespmem:$0x1EA00] =	vst v63  }
0x1be: {  	s12 =	simm.s32 $0x17200  }
0x1bf: {  	[tilespmem:s12], [sflag:$0x4] =	stream.indirect_vreg.gather [hbm4b:s1+s3], $0x80, v4, vm0, $0xb8;
	[tilespmem:$0x1EA00] =	vst v63  }
0x1c0: {  	s4 =	simm.s32 $0x17A00  }
0x1c1: {  	[tilespmem:s4], [sflag:$0x4] =	stream.indirect_vreg.gather [hbm4b:s5+s3], $0x80, v4, vm0, $0xb8;
	[tilespmem:$0x1EA00] =	vst v63  }
0x1c2: {  	s12 =	simm.s32 $0x18200  }
0x1c3: {  	[tilespmem:s12], [sflag:$0x4] =	stream.indirect_vreg.gather [hbm4b:s6+s3], $0x80, v4, vm0, $0xb8;
	[tilespmem:$0x1EA00] =	vst v63  }
0x1c4: {  	_ =	swait.ge [sflag:s14], $0x6000  }
0x1c5: {  	[sflag:s14] =	ssyncset.done $0x0  }
0x1c6: {  	s0 =	rddreg [dreg:$0xb];
	[sflag:s14] =	ssyncadd.s32 $0xFFFFA000  }
0x1c7: {  	[hbm4b:s0+s3] =	stream.linear.scatter [tilespmem:s13], [sflag:$0x7], $0x6000, $0x38;
	[tilespmem:$0x1EA00] =	vst v63  }
0x1c8: {  	s0 =	simm.s32 $0xA  }
0x1c9: {  	_ =	swait.ge [sflag:s0], $0x6000  }
0x1ca: {  	[sflag:s0] =	ssyncset.done $0x0  }
0x1cb: {  	[sflag:s0] =	ssyncadd.s32 $0xFFFFA000  }
0x1cc: {  	v4 =	vld [tilespmem:$0x920];
	_ =	sdelay $0x4  }
0x1cd: {  	v5 =	vshrl.u32 v4, $0x3  }
0x1ce: {  	v5 =	vmul.u32 $0x30, v5  }
0x1cf: {  	v4 =	vand.u32 $0x7, v4  }
0x1d0: {  	v4 =	vor.u32 v4, v5  }
0x1d1: {  	v5 =	vperm.xlane v4, v1;
	_ =	sdelay $0x1  }
0x1d2: {  	v5 =	vadd.s32 v2, v5;
	_ =	sdelay $0x3  }
0x1d3: {  	s11 =	simm.s32 $0x18A00;
	v4 =	vperm.xlane v4, v3  }
0x1d4: {  	[tilespmem:s11], [sflag:$0x5] =	stream.indirect_vreg.gather [hbm4b:s1+s3], $0x80, v5, vm0, $0xb8;
	[tilespmem:$0x1EA00] =	vst v63  }
0x1d5: {  	v4 =	vadd.s32 v2, v4;
	s11 =	simm.s32 $0x19200  }
0x1d6: {  	[tilespmem:s11], [sflag:$0x5] =	stream.indirect_vreg.gather [hbm4b:s5+s3], $0x80, v5, vm0, $0xb8;
	[tilespmem:$0x1EA00] =	vst v63  }
0x1d7: {  	s11 =	simm.s32 $0x19A00  }
0x1d8: {  	[tilespmem:s11], [sflag:$0x5] =	stream.indirect_vreg.gather [hbm4b:s6+s3], $0x80, v5, vm0, $0xb8;
	[tilespmem:$0x1EA00] =	vst v63  }
0x1d9: {  	s11 =	simm.s32 $0x1A200  }
0x1da: {  	[tilespmem:s11], [sflag:$0x5] =	stream.indirect_vreg.gather [hbm4b:s1+s3], $0x80, v4, vm0, $0xb8;
	[tilespmem:$0x1EA00] =	vst v63  }
0x1db: {  	s11 =	simm.s32 $0x1AA00  }
0x1dc: {  	[tilespmem:s11], [sflag:$0x5] =	stream.indirect_vreg.gather [hbm4b:s5+s3], $0x80, v4, vm0, $0xb8;
	[tilespmem:$0x1EA00] =	vst v63  }
0x1dd: {  	s11 =	simm.s32 $0x1B200  }
0x1de: {  	[tilespmem:s11], [sflag:$0x5] =	stream.indirect_vreg.gather [hbm4b:s6+s3], $0x80, v4, vm0, $0xb8;
	[tilespmem:$0x1EA00] =	vst v63  }
0x1df: {  	v4 =	vld [tilespmem:$0x930];
	_ =	sdelay $0x4  }
0x1e0: {  	v5 =	vshrl.u32 v4, $0x3  }
0x1e1: {  	v5 =	vmul.u32 $0x30, v5  }
0x1e2: {  	v4 =	vand.u32 $0x7, v4  }
0x1e3: {  	v4 =	vor.u32 v4, v5  }
0x1e4: {  	v5 =	vperm.xlane v4, v1;
	_ =	sdelay $0x1  }
0x1e5: {  	v5 =	vadd.s32 v2, v5;
	_ =	sdelay $0x3  }
0x1e6: {  	s11 =	simm.s32 $0x1BA00;
	v4 =	vperm.xlane v4, v3  }
0x1e7: {  	[tilespmem:s11], [sflag:$0x5] =	stream.indirect_vreg.gather [hbm4b:s1+s3], $0x80, v5, vm0, $0xb8;
	[tilespmem:$0x1EA00] =	vst v63  }
0x1e8: {  	v4 =	vadd.s32 v2, v4;
	s11 =	simm.s32 $0x1C200  }
0x1e9: {  	[tilespmem:s11], [sflag:$0x5] =	stream.indirect_vreg.gather [hbm4b:s5+s3], $0x80, v5, vm0, $0xb8;
	[tilespmem:$0x1EA00] =	vst v63  }
0x1ea: {  	s11 =	simm.s32 $0x1CA00  }
0x1eb: {  	[tilespmem:s11], [sflag:$0x5] =	stream.indirect_vreg.gather [hbm4b:s6+s3], $0x80, v5, vm0, $0xb8;
	[tilespmem:$0x1EA00] =	vst v63  }
0x1ec: {  	s11 =	simm.s32 $0x1D200  }
0x1ed: {  	[tilespmem:s11], [sflag:$0x5] =	stream.indirect_vreg.gather [hbm4b:s1+s3], $0x80, v4, vm0, $0xb8;
	[tilespmem:$0x1EA00] =	vst v63  }
0x1ee: {  	s11 =	simm.s32 $0x1DA00  }
0x1ef: {  	[tilespmem:s11], [sflag:$0x5] =	stream.indirect_vreg.gather [hbm4b:s5+s3], $0x80, v4, vm0, $0xb8;
	[tilespmem:$0x1EA00] =	vst v63  }
0x1f0: {  	s11 =	simm.s32 $0x1E200  }
0x1f1: {  	[tilespmem:s11], [sflag:$0x5] =	stream.indirect_vreg.gather [hbm4b:s6+s3], $0x80, v4, vm0, $0xb8;
	[tilespmem:$0x1EA00] =	vst v63  }
0x1f2: {  	_ =	swait.ge [sflag:s15], $0x6000  }
0x1f3: {  	[sflag:s15] =	ssyncset.done $0x0  }
0x1f4: {  	s11 =	rddreg [dreg:$0xc];
	[sflag:s15] =	ssyncadd.s32 $0xFFFFA000  }
0x1f5: {  	[hbm4b:s11+s3] =	stream.linear.scatter [tilespmem:s16], [sflag:$0x8], $0x6000, $0x38;
	[tilespmem:$0x1EA00] =	vst v63  }
0x1f6: {  	_ =	swait.ge [sflag:s17], $0x6000  }
0x1f7: {  	[sflag:s17] =	ssyncset.done $0x0  }
0x1f8: {  	[sflag:s17] =	ssyncadd.s32 $0xFFFFA000  }
0x1f9: {  	v4 =	vld [tilespmem:$0x940];
	_ =	sdelay $0x4  }
0x1fa: {  	v5 =	vshrl.u32 v4, $0x3  }
0x1fb: {  	v5 =	vmul.u32 $0x30, v5  }
0x1fc: {  	v4 =	vand.u32 $0x7, v4  }
0x1fd: {  	v4 =	vor.u32 v4, v5  }
0x1fe: {  	v5 =	vperm.xlane v4, v1;
	_ =	sdelay $0x1  }
0x1ff: {  	v5 =	vadd.s32 v2, v5;
	_ =	sdelay $0x3  }
0x200: {  	s11 =	simm.s32 $0xA00;
	v4 =	vperm.xlane v4, v3  }
0x201: {  	[tilespmem:s11], [sflag:$0x1] =	stream.indirect_vreg.gather [hbm4b:s1+s3], $0x80, v5, vm0, $0xb8;
	[tilespmem:$0x1EA00] =	vst v63  }
0x202: {  	v4 =	vadd.s32 v2, v4;
	s11 =	simm.s32 $0x1200  }
0x203: {  	[tilespmem:s11], [sflag:$0x1] =	stream.indirect_vreg.gather [hbm4b:s5+s3], $0x80, v5, vm0, $0xb8;
	[tilespmem:$0x1EA00] =	vst v63  }
0x204: {  	s11 =	simm.s32 $0x1A00  }
0x205: {  	[tilespmem:s11], [sflag:$0x1] =	stream.indirect_vreg.gather [hbm4b:s6+s3], $0x80, v5, vm0, $0xb8;
	[tilespmem:$0x1EA00] =	vst v63  }
0x206: {  	s11 =	simm.s32 $0x2200  }
0x207: {  	[tilespmem:s11], [sflag:$0x1] =	stream.indirect_vreg.gather [hbm4b:s1+s3], $0x80, v4, vm0, $0xb8;
	[tilespmem:$0x1EA00] =	vst v63  }
0x208: {  	s11 =	simm.s32 $0x2A00  }
0x209: {  	[tilespmem:s11], [sflag:$0x1] =	stream.indirect_vreg.gather [hbm4b:s5+s3], $0x80, v4, vm0, $0xb8;
	[tilespmem:$0x1EA00] =	vst v63  }
0x20a: {  	s11 =	simm.s32 $0x3200  }
0x20b: {  	[tilespmem:s11], [sflag:$0x1] =	stream.indirect_vreg.gather [hbm4b:s6+s3], $0x80, v4, vm0, $0xb8;
	[tilespmem:$0x1EA00] =	vst v63  }
0x20c: {  	v4 =	vld [tilespmem:$0x950];
	_ =	sdelay $0x4  }
0x20d: {  	v5 =	vshrl.u32 v4, $0x3  }
0x20e: {  	v5 =	vmul.u32 $0x30, v5  }
0x20f: {  	v4 =	vand.u32 $0x7, v4  }
0x210: {  	v4 =	vor.u32 v4, v5  }
0x211: {  	v5 =	vperm.xlane v4, v1;
	_ =	sdelay $0x1  }
0x212: {  	v5 =	vadd.s32 v2, v5;
	_ =	sdelay $0x3  }
0x213: {  	s11 =	simm.s32 $0x3A00;
	v4 =	vperm.xlane v4, v3  }
0x214: {  	[tilespmem:s11], [sflag:$0x1] =	stream.indirect_vreg.gather [hbm4b:s1+s3], $0x80, v5, vm0, $0xb8;
	[tilespmem:$0x1EA00] =	vst v63  }
0x215: {  	v4 =	vadd.s32 v2, v4;
	s11 =	simm.s32 $0x4200  }
0x216: {  	[tilespmem:s11], [sflag:$0x1] =	stream.indirect_vreg.gather [hbm4b:s5+s3], $0x80, v5, vm0, $0xb8;
	[tilespmem:$0x1EA00] =	vst v63  }
0x217: {  	s11 =	simm.s32 $0x4A00  }
0x218: {  	[tilespmem:s11], [sflag:$0x1] =	stream.indirect_vreg.gather [hbm4b:s6+s3], $0x80, v5, vm0, $0xb8;
	[tilespmem:$0x1EA00] =	vst v63  }
0x219: {  	s11 =	simm.s32 $0x5200  }
0x21a: {  	[tilespmem:s11], [sflag:$0x1] =	stream.indirect_vreg.gather [hbm4b:s1+s3], $0x80, v4, vm0, $0xb8;
	[tilespmem:$0x1EA00] =	vst v63  }
0x21b: {  	s11 =	simm.s32 $0x5A00  }
0x21c: {  	[tilespmem:s11], [sflag:$0x1] =	stream.indirect_vreg.gather [hbm4b:s5+s3], $0x80, v4, vm0, $0xb8;
	[tilespmem:$0x1EA00] =	vst v63  }
0x21d: {  	s11 =	simm.s32 $0x6200  }
0x21e: {  	[tilespmem:s11], [sflag:$0x1] =	stream.indirect_vreg.gather [hbm4b:s6+s3], $0x80, v4, vm0, $0xb8;
	[tilespmem:$0x1EA00] =	vst v63  }
0x21f: {  	_ =	swait.ge [sflag:s9], $0x6000  }
0x220: {  	[sflag:s9] =	ssyncset.done $0x0  }
0x221: {  	s11 =	simm.s32 $0x12A00;
	s4 =	rddreg [dreg:$0xd];
	[sflag:s9] =	ssyncadd.s32 $0xFFFFA000  }
0x222: {  	[hbm4b:s4+s3] =	stream.linear.scatter [tilespmem:s11], [sflag:$0x9], $0x6000, $0x38;
	[tilespmem:$0x1EA00] =	vst v63  }
0x223: {  	_ =	swait.ge [sflag:s10], $0x6000  }
0x224: {  	[sflag:s10] =	ssyncset.done $0x0  }
0x225: {  	[sflag:s10] =	ssyncadd.s32 $0xFFFFA000  }
0x226: {  	v4 =	vld [tilespmem:$0x960];
	_ =	sdelay $0x4  }
0x227: {  	v5 =	vshrl.u32 v4, $0x3  }
0x228: {  	v5 =	vmul.u32 $0x30, v5  }
0x229: {  	v4 =	vand.u32 $0x7, v4  }
0x22a: {  	v4 =	vor.u32 v4, v5  }
0x22b: {  	v5 =	vperm.xlane v4, v1;
	_ =	sdelay $0x1  }
0x22c: {  	v5 =	vadd.s32 v2, v5;
	_ =	sdelay $0x3  }
0x22d: {  	v4 =	vperm.xlane v4, v3  }
0x22e: {  	[tilespmem:s13], [sflag:$0x2] =	stream.indirect_vreg.gather [hbm4b:s1+s3], $0x80, v5, vm0, $0xb8;
	[tilespmem:$0x1EA00] =	vst v63  }
0x22f: {  	v4 =	vadd.s32 v2, v4  }
0x230: {  	[tilespmem:s24], [sflag:$0x2] =	stream.indirect_vreg.gather [hbm4b:s5+s3], $0x80, v5, vm0, $0xb8;
	[tilespmem:$0x1EA00] =	vst v63  }
0x231: {  	_ = 	snop  }
0x232: {  	[tilespmem:s26], [sflag:$0x2] =	stream.indirect_vreg.gather [hbm4b:s6+s3], $0x80, v5, vm0, $0xb8;
	[tilespmem:$0x1EA00] =	vst v63  }
0x233: {  	s26 =	simm.s32 $0x8200  }
0x234: {  	[tilespmem:s26], [sflag:$0x2] =	stream.indirect_vreg.gather [hbm4b:s1+s3], $0x80, v4, vm0, $0xb8;
	[tilespmem:$0x1EA00] =	vst v63  }
0x235: {  	_ = 	snop  }
0x236: {  	[tilespmem:s18], [sflag:$0x2] =	stream.indirect_vreg.gather [hbm4b:s5+s3], $0x80, v4, vm0, $0xb8;
	[tilespmem:$0x1EA00] =	vst v63  }
0x237: {  	_ = 	snop  }
0x238: {  	[tilespmem:s19], [sflag:$0x2] =	stream.indirect_vreg.gather [hbm4b:s6+s3], $0x80, v4, vm0, $0xb8;
	[tilespmem:$0x1EA00] =	vst v63  }
0x239: {  	v4 =	vld [tilespmem:$0x970];
	_ =	sdelay $0x4  }
0x23a: {  	v5 =	vshrl.u32 v4, $0x3  }
0x23b: {  	v5 =	vmul.u32 $0x30, v5  }
0x23c: {  	v4 =	vand.u32 $0x7, v4  }
0x23d: {  	v4 =	vor.u32 v4, v5  }
0x23e: {  	v5 =	vperm.xlane v4, v1;
	_ =	sdelay $0x1  }
0x23f: {  	v5 =	vadd.s32 v2, v5;
	_ =	sdelay $0x3  }
0x240: {  	v4 =	vperm.xlane v4, v3  }
0x241: {  	[tilespmem:s20], [sflag:$0x2] =	stream.indirect_vreg.gather [hbm4b:s1+s3], $0x80, v5, vm0, $0xb8;
	[tilespmem:$0x1EA00] =	vst v63  }
0x242: {  	v4 =	vadd.s32 v2, v4  }
0x243: {  	[tilespmem:s21], [sflag:$0x2] =	stream.indirect_vreg.gather [hbm4b:s5+s3], $0x80, v5, vm0, $0xb8;
	[tilespmem:$0x1EA00] =	vst v63  }
0x244: {  	_ = 	snop  }
0x245: {  	[tilespmem:s23], [sflag:$0x2] =	stream.indirect_vreg.gather [hbm4b:s6+s3], $0x80, v5, vm0, $0xb8;
	[tilespmem:$0x1EA00] =	vst v63  }
0x246: {  	_ = 	snop  }
0x247: {  	[tilespmem:s29], [sflag:$0x2] =	stream.indirect_vreg.gather [hbm4b:s1+s3], $0x80, v4, vm0, $0xb8;
	[tilespmem:$0x1EA00] =	vst v63  }
0x248: {  	_ = 	snop  }
0x249: {  	[tilespmem:s31], [sflag:$0x2] =	stream.indirect_vreg.gather [hbm4b:s5+s3], $0x80, v4, vm0, $0xb8;
	[tilespmem:$0x1EA00] =	vst v63  }
0x24a: {  	s21 =	simm.s32 $0xC200  }
0x24b: {  	[tilespmem:s21], [sflag:$0x2] =	stream.indirect_vreg.gather [hbm4b:s6+s3], $0x80, v4, vm0, $0xb8;
	[tilespmem:$0x1EA00] =	vst v63  }
0x24c: {  	_ =	swait.ge [sflag:s2], $0x6000  }
0x24d: {  	[sflag:s2] =	ssyncset.done $0x0  }
0x24e: {  	s12 =	simm.s32 $0x18A00;
	s23 =	rddreg [dreg:$0xe];
	[sflag:s2] =	ssyncadd.s32 $0xFFFFA000  }
0x24f: {  	[hbm4b:s23+s3] =	stream.linear.scatter [tilespmem:s12], [sflag:$0xA], $0x6000, $0x38;
	[tilespmem:$0x1EA00] =	vst v63  }
0x250: {  	_ =	swait.ge [sflag:s7], $0x6000  }
0x251: {  	[sflag:s7] =	ssyncset.done $0x0  }
0x252: {  	[sflag:s7] =	ssyncadd.s32 $0xFFFFA000  }
0x253: {  	v4 =	vld [tilespmem:$0x980];
	_ =	sdelay $0x4  }
0x254: {  	v5 =	vshrl.u32 v4, $0x3  }
0x255: {  	v5 =	vmul.u32 $0x30, v5  }
0x256: {  	v4 =	vand.u32 $0x7, v4  }
0x257: {  	v4 =	vor.u32 v4, v5  }
0x258: {  	v5 =	vperm.xlane v4, v1;
	_ =	sdelay $0x1  }
0x259: {  	v5 =	vadd.s32 v2, v5;
	_ =	sdelay $0x3  }
0x25a: {  	v4 =	vperm.xlane v4, v3  }
0x25b: {  	[tilespmem:s16], [sflag:$0x3] =	stream.indirect_vreg.gather [hbm4b:s1+s3], $0x80, v5, vm0, $0xb8;
	[tilespmem:$0x1EA00] =	vst v63  }
0x25c: {  	s24 =	simm.s32 $0xD200;
	v4 =	vadd.s32 v2, v4  }
0x25d: {  	[tilespmem:s24], [sflag:$0x3] =	stream.indirect_vreg.gather [hbm4b:s5+s3], $0x80, v5, vm0, $0xb8;
	[tilespmem:$0x1EA00] =	vst v63  }
0x25e: {  	s12 =	simm.s32 $0xDA00  }
0x25f: {  	[tilespmem:s12], [sflag:$0x3] =	stream.indirect_vreg.gather [hbm4b:s6+s3], $0x80, v5, vm0, $0xb8;
	[tilespmem:$0x1EA00] =	vst v63  }
0x260: {  	s19 =	simm.s32 $0xE200  }
0x261: {  	[tilespmem:s19], [sflag:$0x3] =	stream.indirect_vreg.gather [hbm4b:s1+s3], $0x80, v4, vm0, $0xb8;
	[tilespmem:$0x1EA00] =	vst v63  }
0x262: {  	s20 =	simm.s32 $0xEA00  }
0x263: {  	[tilespmem:s20], [sflag:$0x3] =	stream.indirect_vreg.gather [hbm4b:s5+s3], $0x80, v4, vm0, $0xb8;
	[tilespmem:$0x1EA00] =	vst v63  }
0x264: {  	s21 =	simm.s32 $0xF200  }
0x265: {  	[tilespmem:s21], [sflag:$0x3] =	stream.indirect_vreg.gather [hbm4b:s6+s3], $0x80, v4, vm0, $0xb8;
	[tilespmem:$0x1EA00] =	vst v63  }
0x266: {  	v4 =	vld [tilespmem:$0x990];
	_ =	sdelay $0x4  }
0x267: {  	v5 =	vshrl.u32 v4, $0x3  }
0x268: {  	v5 =	vmul.u32 $0x30, v5  }
0x269: {  	v4 =	vand.u32 $0x7, v4  }
0x26a: {  	v4 =	vor.u32 v4, v5  }
0x26b: {  	v5 =	vperm.xlane v4, v1;
	_ =	sdelay $0x1  }
0x26c: {  	v5 =	vadd.s32 v2, v5;
	_ =	sdelay $0x3  }
0x26d: {  	s23 =	simm.s32 $0xFA00;
	v4 =	vperm.xlane v4, v3  }
0x26e: {  	[tilespmem:s23], [sflag:$0x3] =	stream.indirect_vreg.gather [hbm4b:s1+s3], $0x80, v5, vm0, $0xb8;
	[tilespmem:$0x1EA00] =	vst v63  }
0x26f: {  	s24 =	simm.s32 $0x10200;
	v4 =	vadd.s32 v2, v4  }
0x270: {  	[tilespmem:s24], [sflag:$0x3] =	stream.indirect_vreg.gather [hbm4b:s5+s3], $0x80, v5, vm0, $0xb8;
	[tilespmem:$0x1EA00] =	vst v63  }
0x271: {  	s12 =	simm.s32 $0x10A00  }
0x272: {  	[tilespmem:s12], [sflag:$0x3] =	stream.indirect_vreg.gather [hbm4b:s6+s3], $0x80, v5, vm0, $0xb8;
	[tilespmem:$0x1EA00] =	vst v63  }
0x273: {  	s19 =	simm.s32 $0x11200  }
0x274: {  	[tilespmem:s19], [sflag:$0x3] =	stream.indirect_vreg.gather [hbm4b:s1+s3], $0x80, v4, vm0, $0xb8;
	[tilespmem:$0x1EA00] =	vst v63  }
0x275: {  	s20 =	simm.s32 $0x11A00  }
0x276: {  	[tilespmem:s20], [sflag:$0x3] =	stream.indirect_vreg.gather [hbm4b:s5+s3], $0x80, v4, vm0, $0xb8;
	[tilespmem:$0x1EA00] =	vst v63  }
0x277: {  	s21 =	simm.s32 $0x12200  }
0x278: {  	[tilespmem:s21], [sflag:$0x3] =	stream.indirect_vreg.gather [hbm4b:s6+s3], $0x80, v4, vm0, $0xb8;
	[tilespmem:$0x1EA00] =	vst v63  }
0x279: {  	_ =	swait.ge [sflag:s8], $0x6000  }
0x27a: {  	[sflag:s8] =	ssyncset.done $0x0  }
0x27b: {  	s24 =	simm.s32 $0xA00;
	s23 =	rddreg [dreg:$0xf];
	[sflag:s8] =	ssyncadd.s32 $0xFFFFA000  }
0x27c: {  	[hbm4b:s23+s3] =	stream.linear.scatter [tilespmem:s24], [sflag:$0x6], $0x6000, $0x38;
	[tilespmem:$0x1EA00] =	vst v63  }
0x27d: {  	_ =	swait.ge [sflag:s28], $0x6000  }
0x27e: {  	[sflag:s28] =	ssyncset.done $0x0  }
0x27f: {  	[sflag:s28] =	ssyncadd.s32 $0xFFFFA000  }
0x280: {  	v4 =	vld [tilespmem:$0x9A0];
	_ =	sdelay $0x4  }
0x281: {  	v5 =	vshrl.u32 v4, $0x3  }
0x282: {  	v5 =	vmul.u32 $0x30, v5  }
0x283: {  	v4 =	vand.u32 $0x7, v4  }
0x284: {  	v4 =	vor.u32 v4, v5  }
0x285: {  	v5 =	vperm.xlane v4, v1;
	_ =	sdelay $0x1  }
0x286: {  	v5 =	vadd.s32 v2, v5;
	_ =	sdelay $0x3  }
0x287: {  	v4 =	vperm.xlane v4, v3  }
0x288: {  	[tilespmem:s11], [sflag:$0x4] =	stream.indirect_vreg.gather [hbm4b:s1+s3], $0x80, v5, vm0, $0xb8;
	[tilespmem:$0x1EA00] =	vst v63  }
0x289: {  	s12 =	simm.s32 $0x13200;
	v4 =	vadd.s32 v2, v4  }
0x28a: {  	[tilespmem:s12], [sflag:$0x4] =	stream.indirect_vreg.gather [hbm4b:s5+s3], $0x80, v5, vm0, $0xb8;
	[tilespmem:$0x1EA00] =	vst v63  }
0x28b: {  	s19 =	simm.s32 $0x13A00  }
0x28c: {  	[tilespmem:s19], [sflag:$0x4] =	stream.indirect_vreg.gather [hbm4b:s6+s3], $0x80, v5, vm0, $0xb8;
	[tilespmem:$0x1EA00] =	vst v63  }
0x28d: {  	s20 =	simm.s32 $0x14200  }
0x28e: {  	[tilespmem:s20], [sflag:$0x4] =	stream.indirect_vreg.gather [hbm4b:s1+s3], $0x80, v4, vm0, $0xb8;
	[tilespmem:$0x1EA00] =	vst v63  }
0x28f: {  	s21 =	simm.s32 $0x14A00  }
0x290: {  	[tilespmem:s21], [sflag:$0x4] =	stream.indirect_vreg.gather [hbm4b:s5+s3], $0x80, v4, vm0, $0xb8;
	[tilespmem:$0x1EA00] =	vst v63  }
0x291: {  	s23 =	simm.s32 $0x15200  }
0x292: {  	[tilespmem:s23], [sflag:$0x4] =	stream.indirect_vreg.gather [hbm4b:s6+s3], $0x80, v4, vm0, $0xb8;
	[tilespmem:$0x1EA00] =	vst v63  }
0x293: {  	v4 =	vld [tilespmem:$0x9B0];
	_ =	sdelay $0x4  }
0x294: {  	v5 =	vshrl.u32 v4, $0x3  }
0x295: {  	v5 =	vmul.u32 $0x30, v5  }
0x296: {  	v4 =	vand.u32 $0x7, v4  }
0x297: {  	v4 =	vor.u32 v4, v5  }
0x298: {  	v5 =	vperm.xlane v4, v1;
	_ =	sdelay $0x1  }
0x299: {  	v5 =	vadd.s32 v2, v5;
	_ =	sdelay $0x3  }
0x29a: {  	s24 =	simm.s32 $0x15A00;
	v4 =	vperm.xlane v4, v3  }
0x29b: {  	[tilespmem:s24], [sflag:$0x4] =	stream.indirect_vreg.gather [hbm4b:s1+s3], $0x80, v5, vm0, $0xb8;
	[tilespmem:$0x1EA00] =	vst v63  }
0x29c: {  	s11 =	simm.s32 $0x16200;
	v4 =	vadd.s32 v2, v4  }
0x29d: {  	[tilespmem:s11], [sflag:$0x4] =	stream.indirect_vreg.gather [hbm4b:s5+s3], $0x80, v5, vm0, $0xb8;
	[tilespmem:$0x1EA00] =	vst v63  }
0x29e: {  	s12 =	simm.s32 $0x16A00  }
0x29f: {  	[tilespmem:s12], [sflag:$0x4] =	stream.indirect_vreg.gather [hbm4b:s6+s3], $0x80, v5, vm0, $0xb8;
	[tilespmem:$0x1EA00] =	vst v63  }
0x2a0: {  	s19 =	simm.s32 $0x17200  }
0x2a1: {  	[tilespmem:s19], [sflag:$0x4] =	stream.indirect_vreg.gather [hbm4b:s1+s3], $0x80, v4, vm0, $0xb8;
	[tilespmem:$0x1EA00] =	vst v63  }
0x2a2: {  	s20 =	simm.s32 $0x17A00  }
0x2a3: {  	[tilespmem:s20], [sflag:$0x4] =	stream.indirect_vreg.gather [hbm4b:s5+s3], $0x80, v4, vm0, $0xb8;
	[tilespmem:$0x1EA00] =	vst v63  }
0x2a4: {  	s21 =	simm.s32 $0x18200  }
0x2a5: {  	[tilespmem:s21], [sflag:$0x4] =	stream.indirect_vreg.gather [hbm4b:s6+s3], $0x80, v4, vm0, $0xb8;
	[tilespmem:$0x1EA00] =	vst v63  }
0x2a6: {  	_ =	swait.ge [sflag:s14], $0x6000  }
0x2a7: {  	[sflag:s14] =	ssyncset.done $0x0  }
0x2a8: {  	s23 =	rddreg [dreg:$0x10];
	[sflag:s14] =	ssyncadd.s32 $0xFFFFA000  }
0x2a9: {  	[hbm4b:s23+s3] =	stream.linear.scatter [tilespmem:s13], [sflag:$0x7], $0x6000, $0x38;
	[tilespmem:$0x1EA00] =	vst v63  }
0x2aa: {  	_ =	swait.ge [sflag:s0], $0x6000  }
0x2ab: {  	[sflag:s0] =	ssyncset.done $0x0  }
0x2ac: {  	[sflag:s0] =	ssyncadd.s32 $0xFFFFA000  }
0x2ad: {  	v4 =	vld [tilespmem:$0x9C0];
	_ =	sdelay $0x4  }
0x2ae: {  	v5 =	vshrl.u32 v4, $0x3  }
0x2af: {  	v5 =	vmul.u32 $0x30, v5  }
0x2b0: {  	v4 =	vand.u32 $0x7, v4  }
0x2b1: {  	v4 =	vor.u32 v4, v5  }
0x2b2: {  	v5 =	vperm.xlane v4, v1;
	_ =	sdelay $0x1  }
0x2b3: {  	v5 =	vadd.s32 v2, v5;
	_ =	sdelay $0x3  }
0x2b4: {  	s18 =	simm.s32 $0x18A00;
	v4 =	vperm.xlane v4, v3  }
0x2b5: {  	[tilespmem:s18], [sflag:$0x5] =	stream.indirect_vreg.gather [hbm4b:s1+s3], $0x80, v5, vm0, $0xb8;
	[tilespmem:$0x1EA00] =	vst v63  }
0x2b6: {  	s24 =	simm.s32 $0x19200;
	v4 =	vadd.s32 v2, v4  }
0x2b7: {  	[tilespmem:s24], [sflag:$0x5] =	stream.indirect_vreg.gather [hbm4b:s5+s3], $0x80, v5, vm0, $0xb8;
	[tilespmem:$0x1EA00] =	vst v63  }
0x2b8: {  	s12 =	simm.s32 $0x19A00  }
0x2b9: {  	[tilespmem:s12], [sflag:$0x5] =	stream.indirect_vreg.gather [hbm4b:s6+s3], $0x80, v5, vm0, $0xb8;
	[tilespmem:$0x1EA00] =	vst v63  }
0x2ba: {  	s13 =	simm.s32 $0x1A200  }
0x2bb: {  	[tilespmem:s13], [sflag:$0x5] =	stream.indirect_vreg.gather [hbm4b:s1+s3], $0x80, v4, vm0, $0xb8;
	[tilespmem:$0x1EA00] =	vst v63  }
0x2bc: {  	s14 =	simm.s32 $0x1AA00  }
0x2bd: {  	[tilespmem:s14], [sflag:$0x5] =	stream.indirect_vreg.gather [hbm4b:s5+s3], $0x80, v4, vm0, $0xb8;
	[tilespmem:$0x1EA00] =	vst v63  }
0x2be: {  	s18 =	simm.s32 $0x1B200  }
0x2bf: {  	[tilespmem:s18], [sflag:$0x5] =	stream.indirect_vreg.gather [hbm4b:s6+s3], $0x80, v4, vm0, $0xb8;
	[tilespmem:$0x1EA00] =	vst v63  }
0x2c0: {  	v4 =	vld [tilespmem:$0x9D0];
	_ =	sdelay $0x4  }
0x2c1: {  	v5 =	vshrl.u32 v4, $0x3  }
0x2c2: {  	v5 =	vmul.u32 $0x30, v5  }
0x2c3: {  	v4 =	vand.u32 $0x7, v4  }
0x2c4: {  	v4 =	vor.u32 v4, v5  }
0x2c5: {  	v5 =	vperm.xlane v4, v1;
	_ =	sdelay $0x1  }
0x2c6: {  	v5 =	vadd.s32 v2, v5;
	_ =	sdelay $0x3  }
0x2c7: {  	s19 =	simm.s32 $0x1BA00;
	v4 =	vperm.xlane v4, v3  }
0x2c8: {  	[tilespmem:s19], [sflag:$0x5] =	stream.indirect_vreg.gather [hbm4b:s1+s3], $0x80, v5, vm0, $0xb8;
	[tilespmem:$0x1EA00] =	vst v63  }
0x2c9: {  	s21 =	simm.s32 $0x1C200;
	v4 =	vadd.s32 v2, v4  }
0x2ca: {  	[tilespmem:s21], [sflag:$0x5] =	stream.indirect_vreg.gather [hbm4b:s5+s3], $0x80, v5, vm0, $0xb8;
	[tilespmem:$0x1EA00] =	vst v63  }
0x2cb: {  	s23 =	simm.s32 $0x1CA00  }
0x2cc: {  	[tilespmem:s23], [sflag:$0x5] =	stream.indirect_vreg.gather [hbm4b:s6+s3], $0x80, v5, vm0, $0xb8;
	[tilespmem:$0x1EA00] =	vst v63  }
0x2cd: {  	s24 =	simm.s32 $0x1D200  }
0x2ce: {  	[tilespmem:s24], [sflag:$0x5] =	stream.indirect_vreg.gather [hbm4b:s1+s3], $0x80, v4, vm0, $0xb8;
	[tilespmem:$0x1EA00] =	vst v63  }
0x2cf: {  	s12 =	simm.s32 $0x1DA00  }
0x2d0: {  	[tilespmem:s12], [sflag:$0x5] =	stream.indirect_vreg.gather [hbm4b:s5+s3], $0x80, v4, vm0, $0xb8;
	[tilespmem:$0x1EA00] =	vst v63  }
0x2d1: {  	s13 =	simm.s32 $0x1E200  }
0x2d2: {  	[tilespmem:s13], [sflag:$0x5] =	stream.indirect_vreg.gather [hbm4b:s6+s3], $0x80, v4, vm0, $0xb8;
	[tilespmem:$0x1EA00] =	vst v63  }
0x2d3: {  	_ =	swait.ge [sflag:s15], $0x6000  }
0x2d4: {  	[sflag:s15] =	ssyncset.done $0x0  }
0x2d5: {  	s14 =	rddreg [dreg:$0x11];
	[sflag:s15] =	ssyncadd.s32 $0xFFFFA000  }
0x2d6: {  	[hbm4b:s14+s3] =	stream.linear.scatter [tilespmem:s16], [sflag:$0x8], $0x6000, $0x38;
	[tilespmem:$0x1EA00] =	vst v63  }
0x2d7: {  	_ =	swait.ge [sflag:s17], $0x6000  }
0x2d8: {  	[sflag:s17] =	ssyncset.done $0x0  }
0x2d9: {  	[sflag:s17] =	ssyncadd.s32 $0xFFFFA000  }
0x2da: {  	v4 =	vld [tilespmem:$0x9E0];
	_ =	sdelay $0x4  }
0x2db: {  	v5 =	vshrl.u32 v4, $0x3  }
0x2dc: {  	v5 =	vmul.u32 $0x30, v5  }
0x2dd: {  	v4 =	vand.u32 $0x7, v4  }
0x2de: {  	v4 =	vor.u32 v4, v5  }
0x2df: {  	v5 =	vperm.xlane v4, v1;
	_ =	sdelay $0x1  }
0x2e0: {  	v5 =	vadd.s32 v2, v5;
	_ =	sdelay $0x3  }
0x2e1: {  	s15 =	simm.s32 $0xA00;
	v4 =	vperm.xlane v4, v3  }
0x2e2: {  	[tilespmem:s15], [sflag:$0x1] =	stream.indirect_vreg.gather [hbm4b:s1+s3], $0x80, v5, vm0, $0xb8;
	[tilespmem:$0x1EA00] =	vst v63  }
0x2e3: {  	s16 =	simm.s32 $0x1200;
	v4 =	vadd.s32 v2, v4  }
0x2e4: {  	[tilespmem:s16], [sflag:$0x1] =	stream.indirect_vreg.gather [hbm4b:s5+s3], $0x80, v5, vm0, $0xb8;
	[tilespmem:$0x1EA00] =	vst v63  }
0x2e5: {  	s18 =	simm.s32 $0x1A00  }
0x2e6: {  	[tilespmem:s18], [sflag:$0x1] =	stream.indirect_vreg.gather [hbm4b:s6+s3], $0x80, v5, vm0, $0xb8;
	[tilespmem:$0x1EA00] =	vst v63  }
0x2e7: {  	s19 =	simm.s32 $0x2200  }
0x2e8: {  	[tilespmem:s19], [sflag:$0x1] =	stream.indirect_vreg.gather [hbm4b:s1+s3], $0x80, v4, vm0, $0xb8;
	[tilespmem:$0x1EA00] =	vst v63  }
0x2e9: {  	s21 =	simm.s32 $0x2A00  }
0x2ea: {  	[tilespmem:s21], [sflag:$0x1] =	stream.indirect_vreg.gather [hbm4b:s5+s3], $0x80, v4, vm0, $0xb8;
	[tilespmem:$0x1EA00] =	vst v63  }
0x2eb: {  	s23 =	simm.s32 $0x3200  }
0x2ec: {  	[tilespmem:s23], [sflag:$0x1] =	stream.indirect_vreg.gather [hbm4b:s6+s3], $0x80, v4, vm0, $0xb8;
	[tilespmem:$0x1EA00] =	vst v63  }
0x2ed: {  	v4 =	vld [tilespmem:$0x9F0];
	_ =	sdelay $0x4  }
0x2ee: {  	v5 =	vshrl.u32 v4, $0x3  }
0x2ef: {  	v5 =	vmul.u32 $0x30, v5  }
0x2f0: {  	v4 =	vand.u32 $0x7, v4  }
0x2f1: {  	v4 =	vor.u32 v4, v5  }
0x2f2: {  	v5 =	vperm.xlane v4, v1;
	_ =	sdelay $0x1  }
0x2f3: {  	v5 =	vadd.s32 v2, v5;
	_ =	sdelay $0x3  }
0x2f4: {  	s24 =	simm.s32 $0x3A00;
	v4 =	vperm.xlane v4, v3  }
0x2f5: {  	[tilespmem:s24], [sflag:$0x1] =	stream.indirect_vreg.gather [hbm4b:s1+s3], $0x80, v5, vm0, $0xb8;
	[tilespmem:$0x1EA00] =	vst v63  }
0x2f6: {  	s16 =	simm.s32 $0x4200;
	v4 =	vadd.s32 v2, v4  }
0x2f7: {  	[tilespmem:s16], [sflag:$0x1] =	stream.indirect_vreg.gather [hbm4b:s5+s3], $0x80, v5, vm0, $0xb8;
	[tilespmem:$0x1EA00] =	vst v63  }
0x2f8: {  	s19 =	simm.s32 $0x4A00  }
0x2f9: {  	[tilespmem:s19], [sflag:$0x1] =	stream.indirect_vreg.gather [hbm4b:s6+s3], $0x80, v5, vm0, $0xb8;
	[tilespmem:$0x1EA00] =	vst v63  }
0x2fa: {  	s16 =	simm.s32 $0x5200  }
0x2fb: {  	[tilespmem:s16], [sflag:$0x1] =	stream.indirect_vreg.gather [hbm4b:s1+s3], $0x80, v4, vm0, $0xb8;
	[tilespmem:$0x1EA00] =	vst v63  }
0x2fc: {  	s19 =	simm.s32 $0x5A00  }
0x2fd: {  	[tilespmem:s19], [sflag:$0x1] =	stream.indirect_vreg.gather [hbm4b:s5+s3], $0x80, v4, vm0, $0xb8;
	[tilespmem:$0x1EA00] =	vst v63  }
0x2fe: {  	s4 =	simm.s32 $0x6200  }
0x2ff: {  	[tilespmem:s4], [sflag:$0x1] =	stream.indirect_vreg.gather [hbm4b:s6+s3], $0x80, v4, vm0, $0xb8;
	[tilespmem:$0x1EA00] =	vst v63  }
0x300: {  	_ =	swait.ge [sflag:s9], $0x6000  }
0x301: {  	[sflag:s9] =	ssyncset.done $0x0  }
0x302: {  	s4 =	rddreg [dreg:$0x12];
	[sflag:s9] =	ssyncadd.s32 $0xFFFFA000;
	s9 =	simm.s32 $0x12A00  }
0x303: {  	[hbm4b:s4+s3] =	stream.linear.scatter [tilespmem:s9], [sflag:$0x9], $0x6000, $0x38;
	[tilespmem:$0x1EA00] =	vst v63  }
0x304: {  	_ =	swait.ge [sflag:s2], $0x6000  }
0x305: {  	[sflag:s2] =	ssyncset.done $0x0  }
0x306: {  	s11 =	simm.s32 $0x18A00;
	[sflag:s2] =	ssyncadd.s32 $0xFFFFA000;
	s2 =	rddreg [dreg:$0x13]  }
0x307: {  	[hbm4b:s2+s3] =	stream.linear.scatter [tilespmem:s11], [sflag:$0xA], $0x6000, $0x38;
	[tilespmem:$0x1EA00] =	vst v63  }
0x308: {  	_ =	swait.ge [sflag:s8], $0x6000  }
0x309: {  	[sflag:s8] =	ssyncset.done $0x0  }
0x30a: {  	s24 =	simm.s32 $0xA00;
	s9 =	rddreg [dreg:$0x14];
	[sflag:s8] =	ssyncadd.s32 $0xFFFFA000  }
0x30b: {  	[hbm4b:s9+s3] =	stream.linear.scatter [tilespmem:s24], [sflag:$0x6], $0x6000, $0x38;
	[tilespmem:$0x1EA00] =	vst v63  }
0x30c: {  	_ =	swait.ge [sflag:s10], $0x6000  }
0x30d: {  	[sflag:s10] =	ssyncset.done $0x0  }
0x30e: {  	[sflag:s10] =	ssyncadd.s32 $0xFFFFA000  }
0x30f: {  	_ =	swait.ge [sflag:s7], $0x6000  }
0x310: {  	[sflag:s7] =	ssyncset.done $0x0  }
0x311: {  	[sflag:s7] =	ssyncadd.s32 $0xFFFFA000  }
0x312: {  	_ =	swait.ge [sflag:s28], $0x6000  }
0x313: {  	[sflag:s28] =	ssyncset.done $0x0  }
0x314: {  	[sflag:s28] =	ssyncadd.s32 $0xFFFFA000  }
0x315: {  	_ =	swait.ge [sflag:s0], $0x6000  }
0x316: {  	[sflag:s0] =	ssyncset.done $0x0  }
0x317: {  	[sflag:s0] =	ssyncadd.s32 $0xFFFFA000  }
0x318: {  	_ =	swait.ge [sflag:s17], $0x6000  }
0x319: {  	s11 =	rddreg [dreg:$0x16]  }
0x31a: {  	s28 =	rddreg [dreg:$0x15];
	s0 =	sadd.s32 $0x1, s11  }
0x31b: {  	s26 =	simm.s32 $0xC200;
	p0 =	sne.s32 s0, s28  }
.Ltmp2:
0x31c: {  	s29 =	simm.s32 $0x5200;
	s31 =	simm.s32 $0x3A00;
	(pc) =	sbr.rel @p0 .LBB2_1-.Ltmp2, $4  }
0x31d: {  	s20 =	simm.s32 $0x6A00;
	s12 =	simm.s32 $0x1200;
	s13 =	simm.s32 $0x1A00  }
0x31e: {  	s14 =	simm.s32 $0x2200;
	s15 =	simm.s32 $0x2A00;
	s18 =	simm.s32 $0x3200  }
0x31f: {  	s21 =	simm.s32 $0x4A00;
	s23 =	simm.s32 $0x4200;
	[sflag:s17] =	ssyncset.done $0x0  }
0x320: {  	s16 =	simm.s32 $0x5A00;
	s19 =	simm.s32 $0x6200;
	[sflag:s17] =	ssyncadd.s32 $0xFFFFA000  }
0x321: {  	_ =	sfence.sel $0x180000  }
0x322: {  	[bflag:$0x0] =	sbarrier.arrive $0xFFFF  }
0x323: {  	_ =	strace $0x90000047  }
0x324: {  	s0 =	stileid.u32;
	[bflag:$0x2] =	sbarrier.arrive $0xFFFF  }
0x325: {  	p0 =	sne.s32 s0, $0x0;
	s0 =	rddreg [dreg:$0x3]  }
0x326: {  	s0 =	sadd.s32 @!p0 $0x100000, s0  }
0x327: {  	[sflag:s0] =	ssyncadd.tile.s32 @!p0 $0x1;
	_ =	shalt  }
.Lfunc_end2:
_tile_overlayer_lowered:
.L_overlay_start_2:
0x328: {  	(tag) =	ssettag $0x2  }
0x329: {  	s0 =	rddreg [dreg:$0x0];
	s2 =	stileid.u32  }
0x32a: {  	s1 =	rddreg [dreg:$0x1];
	p0 =	sne.s32 s2, $0x0  }
0x32b: {  	s3 =	rddreg [dreg:$0x2];
	[bflag:$0x3] =	sbarrier.arrive $0xFFFF;
	s2 =	simm.s32 @!p0 $0x1C0B  }
0x32c: {  	[timem:s3], [sflag:s2] =	dma.local @!p0 [hbm:s0], s1  }
0x32d: {  	s0 =	simm.s32 @!p0 $0xB  }
0x32e: {  	_ =	swait.ge @!p0 [sflag:s0], s1  }
0x32f: {  	s1 =	ssub.s32 @!p0 $0x0, s1;
	[sflag:s0] =	ssyncset.done @!p0 $0x0  }
0x330: {  	[sflag:s0] =	ssyncadd.s32 @!p0 s1  }
0x331: {  	[bflag:$0x3] =	sbarrier.arrive $0xFFFF  }
0x332: {  	_ =	shalt  }

</sc_bundles>
